<compile_context>
chip_gen: v7x
topology: tpu7x:2x2x1
jax: 0.10.2.dev20260603
libtpu: 0.0.44.dev20260713+nightly
codegen_flags: <defaults>
</compile_context>

<pallas_src>
import functools

import jax
import jax.numpy as jnp
from jax import lax
from jax.experimental import pallas as pl
from jax.experimental.pallas import tpu as pltpu
from jax.experimental.pallas import tpu_sc as plsc

N_NODES = 10000
DEGREE = 32
D = 128

NW = 32
CHUNK = 144
NBUF = 4

PARTS = (5000, 5000)

BLK = 1000
KP = DEGREE // 2


def _pad_rows(n):
  q = NW * CHUNK * NBUF
  return -(-n // q) * q


@functools.cache
def _make_sc_gather(total_rows):
  rows_per_w = total_rows // NW
  nchunk = rows_per_w // CHUNK
  mesh = plsc.VectorSubcoreMesh(core_axis_name="c", subcore_axis_name="s")

  @functools.partial(
      pl.kernel,
      mesh=mesh,
      out_type=jax.ShapeDtypeStruct((total_rows, D), jnp.float32),
      scratch_types=(
          [pltpu.VMEM((CHUNK,), jnp.int32)] * NBUF
          + [pltpu.VMEM((CHUNK, D), jnp.float32)] * NBUF
          + [pltpu.SemaphoreType.DMA] * (2 * NBUF)
      ),
  )
  def sc_gather(table, idx, out, *bufs):
    idxs = bufs[:NBUF]
    rows = bufs[NBUF:2 * NBUF]
    gsem = bufs[2 * NBUF:3 * NBUF]
    wsem = bufs[3 * NBUF:4 * NBUF]
    nc = 2
    wid = lax.axis_index("s") * nc + lax.axis_index("c")
    base = wid * rows_per_w
    rounds = nchunk // NBUF

    def ioff(c):
      return pl.multiple_of(base + c * CHUNK, 8)

    for j in range(NBUF):
      pltpu.sync_copy(idx.at[pl.ds(ioff(j), CHUNK)], idxs[j])
      pltpu.async_copy(table.at[idxs[j]], rows[j], gsem[j])

    def body(r, carry):
      for j in range(NBUF):
        c = NBUF * r + j
        pltpu.make_async_copy(table.at[idxs[j]], rows[j], gsem[j]).wait()
        pltpu.async_copy(rows[j], out.at[pl.ds(ioff(c), CHUNK)], wsem[j])
        pltpu.make_async_copy(
            rows[j], out.at[pl.ds(ioff(c), CHUNK)], wsem[j]).wait()

        @pl.when(r < rounds - 1)
        def _(j=j, c=c):
          pltpu.sync_copy(idx.at[pl.ds(ioff(c + NBUF), CHUNK)], idxs[j])
          pltpu.async_copy(table.at[idxs[j]], rows[j], gsem[j])
      return carry

    lax.fori_loop(0, rounds, body, 0)

  return sc_gather


def _tc_body(ea_ref, eb_ref, ur_ref, w1d_ref, w1b_ref, w2d_ref, w3_ref,
             b1_ref, b2_ref, o_ref, s_ref, acc_ref, l_ref):
  k = pl.program_id(1)
  ea = ea_ref[...]
  eb = eb_ref[...]

  @pl.when(k == 0)
  def _():
    xu = ur_ref[...].astype(jnp.bfloat16)
    s_ref[...] = jnp.dot(xu, w1b_ref[...], preferred_element_type=jnp.float32)

  s = s_ref[...]
  x2 = jnp.concatenate([ea, eb], axis=1).astype(jnp.bfloat16)
  h1 = jnp.dot(x2, w1d_ref[...], preferred_element_type=jnp.float32)
  s2 = jnp.concatenate([s, s], axis=1)
  h1 = jnp.maximum(h1 + s2 + b1_ref[...], 0.0).astype(jnp.bfloat16)
  h2 = jnp.dot(h1, w2d_ref[...], preferred_element_type=jnp.float32)
  h2 = jnp.maximum(h2 + b2_ref[...], 0.0)
  w3c = w3_ref[...]
  la = jnp.sum(h2[:, :D] * w3c, axis=1, keepdims=True)
  lb = jnp.sum(h2[:, D:] * w3c, axis=1, keepdims=True)
  wa = jnp.exp(la)
  wb = jnp.exp(lb)

  @pl.when(k == 0)
  def _():
    l_ref[...] = wa + wb
    acc_ref[...] = wa * ea + wb * eb

  @pl.when(k > 0)
  def _():
    l_ref[...] = l_ref[...] + wa + wb
    acc_ref[...] = acc_ref[...] + wa * ea + wb * eb

  @pl.when(k == pl.num_programs(1) - 1)
  def _():
    o_ref[...] = acc_ref[...] / l_ref[...]


@functools.cache
def _make_tc_attend(nh):
  nb = nh // BLK
  e_blocks = nh * DEGREE // BLK
  return pl.pallas_call(
      _tc_body,
      grid=(nb, KP),
      in_specs=[
          pl.BlockSpec((BLK, D), lambda b, k: (2 * k * nb + b, 0)),
          pl.BlockSpec((BLK, D), lambda b, k: ((2 * k + 1) * nb + b, 0)),
          pl.BlockSpec((BLK, D), lambda b, k: (e_blocks + b, 0)),
          pl.BlockSpec((2 * D, 2 * D), lambda b, k: (0, 0)),
          pl.BlockSpec((D, D), lambda b, k: (0, 0)),
          pl.BlockSpec((2 * D, 2 * D), lambda b, k: (0, 0)),
          pl.BlockSpec((1, D), lambda b, k: (0, 0)),
          pl.BlockSpec((1, 2 * D), lambda b, k: (0, 0)),
          pl.BlockSpec((1, 2 * D), lambda b, k: (0, 0)),
      ],
      out_specs=pl.BlockSpec((BLK, D), lambda b, k: (b, 0)),
      out_shape=jax.ShapeDtypeStruct((nh, D), jnp.float32),
      scratch_shapes=[
          pltpu.VMEM((BLK, D), jnp.float32),
          pltpu.VMEM((BLK, D), jnp.float32),
          pltpu.VMEM((BLK, 1), jnp.float32),
      ],
  )


def _blkdiag(w):
  z = jnp.zeros_like(w)
  return jnp.concatenate(
      [jnp.concatenate([w, z], axis=1), jnp.concatenate([z, w], axis=1)],
      axis=0)


def kernel(nodes, to_neighs, u2e, W1, b1, W2, b2, W3, b3):
  w1d = _blkdiag(W1[:D]).astype(jnp.bfloat16)
  w2d = _blkdiag(W2).astype(jnp.bfloat16)
  w1b = W1[D:].astype(jnp.bfloat16)
  w3t = W3.reshape(1, D)
  b1t = jnp.tile(b1.reshape(1, D), (1, 2))
  b2t = jnp.tile(b2.reshape(1, D), (1, 2))
  nodes = nodes.astype(jnp.int32)
  to_neighs = to_neighs.astype(jnp.int32)
  outs = []
  lo = 0
  for nh in PARTS:
    hi = lo + nh
    e_rows = nh * DEGREE
    total_rows = _pad_rows(e_rows + nh)
    pad = total_rows - e_rows - nh
    idx_i = jnp.concatenate(
        [to_neighs[lo:hi].T.reshape(-1), nodes[lo:hi],
         jnp.zeros((pad,), jnp.int32)])
    g = _make_sc_gather(total_rows)(u2e, idx_i)
    outs.append(_make_tc_attend(nh)(g, g, g, w1d, w1b, w2d, w3t, b1t, b2t))
    lo = hi
  return jnp.concatenate(outs, axis=0)

# --- scband reference (transcript-rebuilt; emitter-appended) ---
"""Pipeline reference for scband-social-aggregator-25821343383579 (READ-ONLY COPY).

The authoritative reference and input builder live on the scoring server;
editing this copy changes nothing except your own understanding.
"""

import jax, jax.numpy as jnp
import numpy as np

NUM_USERS = 50000
EMBED_DIM = 128
N_NODES = 10000
DEGREE = 32


def setup_inputs(seed: int = 0) -> dict:
    key = jax.random.key(seed)
    ks = jax.random.split(key, 9)
    nodes = jax.random.randint(ks[0], (N_NODES,), 0, NUM_USERS)
    to_neighs = jax.random.randint(ks[1], (N_NODES, DEGREE), 0, NUM_USERS)
    u2e = jax.random.normal(ks[2], (NUM_USERS, EMBED_DIM), dtype=jnp.float32) * 0.1
    W1 = jax.random.normal(ks[3], (2 * EMBED_DIM, EMBED_DIM), dtype=jnp.float32) / np.sqrt(2 * EMBED_DIM)
    b1 = jnp.zeros((EMBED_DIM,), dtype=jnp.float32)
    W2 = jax.random.normal(ks[4], (EMBED_DIM, EMBED_DIM), dtype=jnp.float32) / np.sqrt(EMBED_DIM)
    b2 = jnp.zeros((EMBED_DIM,), dtype=jnp.float32)
    W3 = jax.random.normal(ks[5], (EMBED_DIM, 1), dtype=jnp.float32) / np.sqrt(EMBED_DIM)
    b3 = jnp.zeros((1,), dtype=jnp.float32)
    return {"nodes": nodes, "to_neighs": to_neighs, "u2e": u2e,
            "W1": W1, "b1": b1, "W2": W2, "b2": b2, "W3": W3, "b3": b3}


def reference(nodes, to_neighs, u2e, W1, b1, W2, b2, W3, b3):
    # Gather neighbor embeddings e_u and self embeddings u_rep from table u2e
    e_u = jnp.take(u2e, to_neighs, axis=0)          # [N, K, d]
    u_rep = jnp.take(u2e, nodes, axis=0)            # [N, d]
    u_rep_exp = jnp.broadcast_to(u_rep[:, None, :], e_u.shape)  # repeat(num_neighs, 1)
    # GraphRec Attention: cat -> Linear -> ReLU -> Linear -> ReLU -> Linear -> softmax over neighbors
    x = jnp.concatenate([e_u, u_rep_exp], axis=-1)  # [N, K, 2d]
    x = jax.nn.relu(x @ W1 + b1)
    x = jax.nn.relu(x @ W2 + b2)
    x = x @ W3 + b3                                  # [N, K, 1]
    att_w = jax.nn.softmax(x, axis=1)                # softmax over neighbors (dim=0 per node)
    # att_history = (e_u^T @ att_w)^T == weighted sum of neighbor embeddings
    to_feats = jnp.sum(e_u * att_w, axis=1)          # [N, d]
    return to_feats

if __name__ == "__main__":
    import jax
    _d = setup_inputs()
    print(jax.jit(kernel)(*tuple(_d.values())))

</pallas_src>

<mosaic_0001>
#map = affine_map<(d0, d1) -> (0, 0)>
#map1 = affine_map<(d0, d1) -> (0)>
module attributes {stable_mosaic.version = 14 : i64} {
  func.func @sc_gather(%arg0: i32, %arg1: i32, %arg2: memref<50000x128xf32, #tpu.memory_space<hbm>>, %arg3: memref<165888xi32, #tpu.memory_space<hbm>>, %arg4: memref<165888x128xf32, #tpu.memory_space<hbm>>, %arg5: memref<144xi32, #tpu.memory_space<vmem>>, %arg6: memref<144xi32, #tpu.memory_space<vmem>>, %arg7: memref<144xi32, #tpu.memory_space<vmem>>, %arg8: memref<144xi32, #tpu.memory_space<vmem>>, %arg9: memref<144x128xf32, #tpu.memory_space<vmem>>, %arg10: memref<144x128xf32, #tpu.memory_space<vmem>>, %arg11: memref<144x128xf32, #tpu.memory_space<vmem>>, %arg12: memref<144x128xf32, #tpu.memory_space<vmem>>, %arg13: memref<!tpu.dma_semaphore, #tpu.memory_space<semaphore_mem>>, %arg14: memref<!tpu.dma_semaphore, #tpu.memory_space<semaphore_mem>>, %arg15: memref<!tpu.dma_semaphore, #tpu.memory_space<semaphore_mem>>, %arg16: memref<!tpu.dma_semaphore, #tpu.memory_space<semaphore_mem>>, %arg17: memref<!tpu.dma_semaphore, #tpu.memory_space<semaphore_mem>>, %arg18: memref<!tpu.dma_semaphore, #tpu.memory_space<semaphore_mem>>, %arg19: memref<!tpu.dma_semaphore, #tpu.memory_space<semaphore_mem>>, %arg20: memref<!tpu.dma_semaphore, #tpu.memory_space<semaphore_mem>>) attributes {dimension_semantics = [#tpu.dimension_semantics<core_parallel>, #tpu.dimension_semantics<subcore_parallel>], iteration_bounds = array<i64: 2, 16>, scalar_prefetch = 0 : i64, scratch_operands = 16 : i64, tpu.core_type = #tpu.core_type<sc_vector_subcore>, window_params = [{transform_indices = #map}, {transform_indices = #map1}, {transform_indices = #map}]} {
    %mul3A = arith.constant 2 : i32
    %mul3A_0 = arith.muli %arg1, %mul3A : i32
    %add3A = arith.addi %mul3A_0, %arg0 : i32
    %mul3A_1 = arith.constant 5184 : i32
    %mul3A_2 = arith.muli %add3A, %mul3A_1 : i32
    %add3A_3 = arith.constant 0 : i32
    %add3A_4 = arith.addi %mul3A_2, %add3A_3 : i32
    %multiple_of3A = tpu.assume_multiple %add3A_4, 8 : i32
    "tpu.region"() ({
      %run_scoped3A = tpu.sem_alloc : memref<!tpu.dma_semaphore, #tpu.memory_space<semaphore_mem>>
      %dma_start3A_30 = tpu.memref_slice %arg3[%multiple_of3A] : memref<165888xi32, #tpu.memory_space<hbm>> -> memref<144xi32, #tpu.memory_space<hbm>>
      %dma_start3A_31 = tpu.memref_slice %arg3[%multiple_of3A] : memref<165888xi32, #tpu.memory_space<hbm>> -> memref<144xi32, #tpu.memory_space<hbm>>
      tpu.enqueue_dma source(%dma_start3A_31 : memref<144xi32, #tpu.memory_space<hbm>>) target(%arg5 : memref<144xi32, #tpu.memory_space<vmem>>) target_semaphore(%run_scoped3A : memref<!tpu.dma_semaphore, #tpu.memory_space<semaphore_mem>>)
      %dma_wait3A = tpu.memref_slice %arg3[%multiple_of3A] : memref<165888xi32, #tpu.memory_space<hbm>> -> memref<144xi32, #tpu.memory_space<hbm>>
      %dma_wait3A_32 = tpu.memref_slice %arg3[%multiple_of3A] : memref<165888xi32, #tpu.memory_space<hbm>> -> memref<144xi32, #tpu.memory_space<hbm>>
      tpu.wait_dma2 semaphore(%run_scoped3A : memref<!tpu.dma_semaphore, #tpu.memory_space<semaphore_mem>>) src(%dma_wait3A_32 : memref<144xi32, #tpu.memory_space<hbm>>) dst(%arg5 : memref<144xi32, #tpu.memory_space<vmem>>)
      tpu.yield
    }) : () -> ()
    %dma_start3A = arith.constant 0 : i32
    %dma_start3A_5 = arith.constant 0 : i32
    %dma_start3A_6 = tpu.memref_slice %arg2[%dma_start3A, %dma_start3A_5] : memref<50000x128xf32, #tpu.memory_space<hbm>> -> memref<50000x128xf32, #tpu.memory_space<hbm>>
    tpu.enqueue_indirect_dma source(%dma_start3A_6 : memref<50000x128xf32, #tpu.memory_space<hbm>>) target(%arg9 : memref<144x128xf32, #tpu.memory_space<vmem>>) offsets(%arg5 : memref<144xi32, #tpu.memory_space<vmem>>) semaphore(%arg13 : memref<!tpu.dma_semaphore, #tpu.memory_space<semaphore_mem>>)
    %add3A_7 = arith.constant 144 : i32
    %add3A_8 = arith.addi %mul3A_2, %add3A_7 : i32
    %multiple_of3A_9 = tpu.assume_multiple %add3A_8, 8 : i32
    "tpu.region"() ({
      %run_scoped3A = tpu.sem_alloc : memref<!tpu.dma_semaphore, #tpu.memory_space<semaphore_mem>>
      %dma_start3A_30 = tpu.memref_slice %arg3[%multiple_of3A_9] : memref<165888xi32, #tpu.memory_space<hbm>> -> memref<144xi32, #tpu.memory_space<hbm>>
      %dma_start3A_31 = tpu.memref_slice %arg3[%multiple_of3A_9] : memref<165888xi32, #tpu.memory_space<hbm>> -> memref<144xi32, #tpu.memory_space<hbm>>
      tpu.enqueue_dma source(%dma_start3A_31 : memref<144xi32, #tpu.memory_space<hbm>>) target(%arg6 : memref<144xi32, #tpu.memory_space<vmem>>) target_semaphore(%run_scoped3A : memref<!tpu.dma_semaphore, #tpu.memory_space<semaphore_mem>>)
      %dma_wait3A = tpu.memref_slice %arg3[%multiple_of3A_9] : memref<165888xi32, #tpu.memory_space<hbm>> -> memref<144xi32, #tpu.memory_space<hbm>>
      %dma_wait3A_32 = tpu.memref_slice %arg3[%multiple_of3A_9] : memref<165888xi32, #tpu.memory_space<hbm>> -> memref<144xi32, #tpu.memory_space<hbm>>
      tpu.wait_dma2 semaphore(%run_scoped3A : memref<!tpu.dma_semaphore, #tpu.memory_space<semaphore_mem>>) src(%dma_wait3A_32 : memref<144xi32, #tpu.memory_space<hbm>>) dst(%arg6 : memref<144xi32, #tpu.memory_space<vmem>>)
      tpu.yield
    }) : () -> ()
    %dma_start3A_10 = arith.constant 0 : i32
    %dma_start3A_11 = arith.constant 0 : i32
    %dma_start3A_12 = tpu.memref_slice %arg2[%dma_start3A_10, %dma_start3A_11] : memref<50000x128xf32, #tpu.memory_space<hbm>> -> memref<50000x128xf32, #tpu.memory_space<hbm>>
    tpu.enqueue_indirect_dma source(%dma_start3A_12 : memref<50000x128xf32, #tpu.memory_space<hbm>>) target(%arg10 : memref<144x128xf32, #tpu.memory_space<vmem>>) offsets(%arg6 : memref<144xi32, #tpu.memory_space<vmem>>) semaphore(%arg14 : memref<!tpu.dma_semaphore, #tpu.memory_space<semaphore_mem>>)
    %add3A_13 = arith.constant 288 : i32
    %add3A_14 = arith.addi %mul3A_2, %add3A_13 : i32
    %multiple_of3A_15 = tpu.assume_multiple %add3A_14, 8 : i32
    "tpu.region"() ({
      %run_scoped3A = tpu.sem_alloc : memref<!tpu.dma_semaphore, #tpu.memory_space<semaphore_mem>>
      %dma_start3A_30 = tpu.memref_slice %arg3[%multiple_of3A_15] : memref<165888xi32, #tpu.memory_space<hbm>> -> memref<144xi32, #tpu.memory_space<hbm>>
      %dma_start3A_31 = tpu.memref_slice %arg3[%multiple_of3A_15] : memref<165888xi32, #tpu.memory_space<hbm>> -> memref<144xi32, #tpu.memory_space<hbm>>
      tpu.enqueue_dma source(%dma_start3A_31 : memref<144xi32, #tpu.memory_space<hbm>>) target(%arg7 : memref<144xi32, #tpu.memory_space<vmem>>) target_semaphore(%run_scoped3A : memref<!tpu.dma_semaphore, #tpu.memory_space<semaphore_mem>>)
      %dma_wait3A = tpu.memref_slice %arg3[%multiple_of3A_15] : memref<165888xi32, #tpu.memory_space<hbm>> -> memref<144xi32, #tpu.memory_space<hbm>>
      %dma_wait3A_32 = tpu.memref_slice %arg3[%multiple_of3A_15] : memref<165888xi32, #tpu.memory_space<hbm>> -> memref<144xi32, #tpu.memory_space<hbm>>
      tpu.wait_dma2 semaphore(%run_scoped3A : memref<!tpu.dma_semaphore, #tpu.memory_space<semaphore_mem>>) src(%dma_wait3A_32 : memref<144xi32, #tpu.memory_space<hbm>>) dst(%arg7 : memref<144xi32, #tpu.memory_space<vmem>>)
      tpu.yield
    }) : () -> ()
    %dma_start3A_16 = arith.constant 0 : i32
    %dma_start3A_17 = arith.constant 0 : i32
    %dma_start3A_18 = tpu.memref_slice %arg2[%dma_start3A_16, %dma_start3A_17] : memref<50000x128xf32, #tpu.memory_space<hbm>> -> memref<50000x128xf32, #tpu.memory_space<hbm>>
    tpu.enqueue_indirect_dma source(%dma_start3A_18 : memref<50000x128xf32, #tpu.memory_space<hbm>>) target(%arg11 : memref<144x128xf32, #tpu.memory_space<vmem>>) offsets(%arg7 : memref<144xi32, #tpu.memory_space<vmem>>) semaphore(%arg15 : memref<!tpu.dma_semaphore, #tpu.memory_space<semaphore_mem>>)
    %add3A_19 = arith.constant 432 : i32
    %add3A_20 = arith.addi %mul3A_2, %add3A_19 : i32
    %multiple_of3A_21 = tpu.assume_multiple %add3A_20, 8 : i32
    "tpu.region"() ({
      %run_scoped3A = tpu.sem_alloc : memref<!tpu.dma_semaphore, #tpu.memory_space<semaphore_mem>>
      %dma_start3A_30 = tpu.memref_slice %arg3[%multiple_of3A_21] : memref<165888xi32, #tpu.memory_space<hbm>> -> memref<144xi32, #tpu.memory_space<hbm>>
      %dma_start3A_31 = tpu.memref_slice %arg3[%multiple_of3A_21] : memref<165888xi32, #tpu.memory_space<hbm>> -> memref<144xi32, #tpu.memory_space<hbm>>
      tpu.enqueue_dma source(%dma_start3A_31 : memref<144xi32, #tpu.memory_space<hbm>>) target(%arg8 : memref<144xi32, #tpu.memory_space<vmem>>) target_semaphore(%run_scoped3A : memref<!tpu.dma_semaphore, #tpu.memory_space<semaphore_mem>>)
      %dma_wait3A = tpu.memref_slice %arg3[%multiple_of3A_21] : memref<165888xi32, #tpu.memory_space<hbm>> -> memref<144xi32, #tpu.memory_space<hbm>>
      %dma_wait3A_32 = tpu.memref_slice %arg3[%multiple_of3A_21] : memref<165888xi32, #tpu.memory_space<hbm>> -> memref<144xi32, #tpu.memory_space<hbm>>
      tpu.wait_dma2 semaphore(%run_scoped3A : memref<!tpu.dma_semaphore, #tpu.memory_space<semaphore_mem>>) src(%dma_wait3A_32 : memref<144xi32, #tpu.memory_space<hbm>>) dst(%arg8 : memref<144xi32, #tpu.memory_space<vmem>>)
      tpu.yield
    }) : () -> ()
    %dma_start3A_22 = arith.constant 0 : i32
    %dma_start3A_23 = arith.constant 0 : i32
    %dma_start3A_24 = tpu.memref_slice %arg2[%dma_start3A_22, %dma_start3A_23] : memref<50000x128xf32, #tpu.memory_space<hbm>> -> memref<50000x128xf32, #tpu.memory_space<hbm>>
    tpu.enqueue_indirect_dma source(%dma_start3A_24 : memref<50000x128xf32, #tpu.memory_space<hbm>>) target(%arg12 : memref<144x128xf32, #tpu.memory_space<vmem>>) offsets(%arg8 : memref<144xi32, #tpu.memory_space<vmem>>) semaphore(%arg16 : memref<!tpu.dma_semaphore, #tpu.memory_space<semaphore_mem>>)
    %scan3A = arith.constant 0 : i32
    %scan3A_25 = arith.constant 0 : i32
    %scan3A_26 = arith.constant 9 : i32
    %scan3A_27 = arith.addi %scan3A_25, %scan3A_26 : i32
    %scan3A_28 = arith.constant 1 : i32
    scf.for %scan3A_30 = %scan3A_25 to %scan3A_27 step %scan3A_28  : i32 {
      %mul3A_31 = arith.constant 4 : i32
      %mul3A_32 = arith.muli %mul3A_31, %scan3A_30 : i32
      %add3A_33 = arith.constant 0 : i32
      %add3A_34 = arith.addi %mul3A_32, %add3A_33 : i32
      %dma_wait3A = arith.constant 0 : i32
      %dma_wait3A_35 = arith.constant 0 : i32
      %dma_wait3A_36 = tpu.memref_slice %arg2[%dma_wait3A, %dma_wait3A_35] : memref<50000x128xf32, #tpu.memory_space<hbm>> -> memref<50000x128xf32, #tpu.memory_space<hbm>>
      tpu.wait_indirect_dma semaphore(%arg13 : memref<!tpu.dma_semaphore, #tpu.memory_space<semaphore_mem>>) src(%dma_wait3A_36 : memref<50000x128xf32, #tpu.memory_space<hbm>>) dst(%arg9 : memref<144x128xf32, #tpu.memory_space<vmem>>)
      %mul3A_37 = arith.constant 144 : i32
      %mul3A_38 = arith.muli %add3A_34, %mul3A_37 : i32
      %add3A_39 = arith.addi %mul3A_2, %mul3A_38 : i32
      %multiple_of3A_40 = tpu.assume_multiple %add3A_39, 8 : i32
      %dma_start3A_41 = arith.constant 0 : i32
      %dma_start3A_42 = tpu.memref_slice %arg4[%multiple_of3A_40, %dma_start3A_41] : memref<165888x128xf32, #tpu.memory_space<hbm>> -> memref<144x128xf32, #tpu.memory_space<hbm>>
      %dma_start3A_43 = arith.constant 0 : i32
      %dma_start3A_44 = tpu.memref_slice %arg4[%multiple_of3A_40, %dma_start3A_43] : memref<165888x128xf32, #tpu.memory_space<hbm>> -> memref<144x128xf32, #tpu.memory_space<hbm>>
      tpu.enqueue_dma source(%arg9 : memref<144x128xf32, #tpu.memory_space<vmem>>) target(%dma_start3A_44 : memref<144x128xf32, #tpu.memory_space<hbm>>) target_semaphore(%arg17 : memref<!tpu.dma_semaphore, #tpu.memory_space<semaphore_mem>>)
      %mul3A_45 = arith.constant 144 : i32
      %mul3A_46 = arith.muli %add3A_34, %mul3A_45 : i32
      %add3A_47 = arith.addi %mul3A_2, %mul3A_46 : i32
      %multiple_of3A_48 = tpu.assume_multiple %add3A_47, 8 : i32
      %dma_wait3A_49 = arith.constant 0 : i32
      %dma_wait3A_50 = tpu.memref_slice %arg4[%multiple_of3A_48, %dma_wait3A_49] : memref<165888x128xf32, #tpu.memory_space<hbm>> -> memref<144x128xf32, #tpu.memory_space<hbm>>
      %dma_wait3A_51 = arith.constant 0 : i32
      %dma_wait3A_52 = tpu.memref_slice %arg4[%multiple_of3A_48, %dma_wait3A_51] : memref<165888x128xf32, #tpu.memory_space<hbm>> -> memref<144x128xf32, #tpu.memory_space<hbm>>
      tpu.wait_dma2 semaphore(%arg17 : memref<!tpu.dma_semaphore, #tpu.memory_space<semaphore_mem>>) src(%arg9 : memref<144x128xf32, #tpu.memory_space<vmem>>) dst(%dma_wait3A_52 : memref<144x128xf32, #tpu.memory_space<hbm>>)
      %lt3A = arith.constant 8 : i32
      %lt3A_53 = arith.cmpi slt, %scan3A_30, %lt3A : i32
      %convert_element_type3A = arith.extui %lt3A_53 : i1 to i32
      %cond3A = arith.constant 0 : i32
      %cond3A_54 = arith.cmpi ne, %convert_element_type3A, %cond3A : i32
      scf.if %cond3A_54 {
        %add3A_139 = arith.constant 4 : i32
        %add3A_140 = arith.addi %add3A_34, %add3A_139 : i32
        %mul3A_141 = arith.constant 144 : i32
        %mul3A_142 = arith.muli %add3A_140, %mul3A_141 : i32
        %add3A_143 = arith.addi %mul3A_2, %mul3A_142 : i32
        %multiple_of3A_144 = tpu.assume_multiple %add3A_143, 8 : i32
        "tpu.region"() ({
          %run_scoped3A = tpu.sem_alloc : memref<!tpu.dma_semaphore, #tpu.memory_space<semaphore_mem>>
          %dma_start3A_148 = tpu.memref_slice %arg3[%multiple_of3A_144] : memref<165888xi32, #tpu.memory_space<hbm>> -> memref<144xi32, #tpu.memory_space<hbm>>
          %dma_start3A_149 = tpu.memref_slice %arg3[%multiple_of3A_144] : memref<165888xi32, #tpu.memory_space<hbm>> -> memref<144xi32, #tpu.memory_space<hbm>>
          tpu.enqueue_dma source(%dma_start3A_149 : memref<144xi32, #tpu.memory_space<hbm>>) target(%arg5 : memref<144xi32, #tpu.memory_space<vmem>>) target_semaphore(%run_scoped3A : memref<!tpu.dma_semaphore, #tpu.memory_space<semaphore_mem>>)
          %dma_wait3A_150 = tpu.memref_slice %arg3[%multiple_of3A_144] : memref<165888xi32, #tpu.memory_space<hbm>> -> memref<144xi32, #tpu.memory_space<hbm>>
          %dma_wait3A_151 = tpu.memref_slice %arg3[%multiple_of3A_144] : memref<165888xi32, #tpu.memory_space<hbm>> -> memref<144xi32, #tpu.memory_space<hbm>>
          tpu.wait_dma2 semaphore(%run_scoped3A : memref<!tpu.dma_semaphore, #tpu.memory_space<semaphore_mem>>) src(%dma_wait3A_151 : memref<144xi32, #tpu.memory_space<hbm>>) dst(%arg5 : memref<144xi32, #tpu.memory_space<vmem>>)
          tpu.yield
        }) : () -> ()
        %dma_start3A_145 = arith.constant 0 : i32
        %dma_start3A_146 = arith.constant 0 : i32
        %dma_start3A_147 = tpu.memref_slice %arg2[%dma_start3A_145, %dma_start3A_146] : memref<50000x128xf32, #tpu.memory_space<hbm>> -> memref<50000x128xf32, #tpu.memory_space<hbm>>
        tpu.enqueue_indirect_dma source(%dma_start3A_147 : memref<50000x128xf32, #tpu.memory_space<hbm>>) target(%arg9 : memref<144x128xf32, #tpu.memory_space<vmem>>) offsets(%arg5 : memref<144xi32, #tpu.memory_space<vmem>>) semaphore(%arg13 : memref<!tpu.dma_semaphore, #tpu.memory_space<semaphore_mem>>)
      } else {
      }
      %mul3A_55 = arith.constant 4 : i32
      %mul3A_56 = arith.muli %mul3A_55, %scan3A_30 : i32
      %add3A_57 = arith.constant 1 : i32
      %add3A_58 = arith.addi %mul3A_56, %add3A_57 : i32
      %dma_wait3A_59 = arith.constant 0 : i32
      %dma_wait3A_60 = arith.constant 0 : i32
      %dma_wait3A_61 = tpu.memref_slice %arg2[%dma_wait3A_59, %dma_wait3A_60] : memref<50000x128xf32, #tpu.memory_space<hbm>> -> memref<50000x128xf32, #tpu.memory_space<hbm>>
      tpu.wait_indirect_dma semaphore(%arg14 : memref<!tpu.dma_semaphore, #tpu.memory_space<semaphore_mem>>) src(%dma_wait3A_61 : memref<50000x128xf32, #tpu.memory_space<hbm>>) dst(%arg10 : memref<144x128xf32, #tpu.memory_space<vmem>>)
      %mul3A_62 = arith.constant 144 : i32
      %mul3A_63 = arith.muli %add3A_58, %mul3A_62 : i32
      %add3A_64 = arith.addi %mul3A_2, %mul3A_63 : i32
      %multiple_of3A_65 = tpu.assume_multiple %add3A_64, 8 : i32
      %dma_start3A_66 = arith.constant 0 : i32
      %dma_start3A_67 = tpu.memref_slice %arg4[%multiple_of3A_65, %dma_start3A_66] : memref<165888x128xf32, #tpu.memory_space<hbm>> -> memref<144x128xf32, #tpu.memory_space<hbm>>
      %dma_start3A_68 = arith.constant 0 : i32
      %dma_start3A_69 = tpu.memref_slice %arg4[%multiple_of3A_65, %dma_start3A_68] : memref<165888x128xf32, #tpu.memory_space<hbm>> -> memref<144x128xf32, #tpu.memory_space<hbm>>
      tpu.enqueue_dma source(%arg10 : memref<144x128xf32, #tpu.memory_space<vmem>>) target(%dma_start3A_69 : memref<144x128xf32, #tpu.memory_space<hbm>>) target_semaphore(%arg18 : memref<!tpu.dma_semaphore, #tpu.memory_space<semaphore_mem>>)
      %mul3A_70 = arith.constant 144 : i32
      %mul3A_71 = arith.muli %add3A_58, %mul3A_70 : i32
      %add3A_72 = arith.addi %mul3A_2, %mul3A_71 : i32
      %multiple_of3A_73 = tpu.assume_multiple %add3A_72, 8 : i32
      %dma_wait3A_74 = arith.constant 0 : i32
      %dma_wait3A_75 = tpu.memref_slice %arg4[%multiple_of3A_73, %dma_wait3A_74] : memref<165888x128xf32, #tpu.memory_space<hbm>> -> memref<144x128xf32, #tpu.memory_space<hbm>>
      %dma_wait3A_76 = arith.constant 0 : i32
      %dma_wait3A_77 = tpu.memref_slice %arg4[%multiple_of3A_73, %dma_wait3A_76] : memref<165888x128xf32, #tpu.memory_space<hbm>> -> memref<144x128xf32, #tpu.memory_space<hbm>>
      tpu.wait_dma2 semaphore(%arg18 : memref<!tpu.dma_semaphore, #tpu.memory_space<semaphore_mem>>) src(%arg10 : memref<144x128xf32, #tpu.memory_space<vmem>>) dst(%dma_wait3A_77 : memref<144x128xf32, #tpu.memory_space<hbm>>)
      %lt3A_78 = arith.constant 8 : i32
      %lt3A_79 = arith.cmpi slt, %scan3A_30, %lt3A_78 : i32
      %convert_element_type3A_80 = arith.extui %lt3A_79 : i1 to i32
      %cond3A_81 = arith.constant 0 : i32
      %cond3A_82 = arith.cmpi ne, %convert_element_type3A_80, %cond3A_81 : i32
      scf.if %cond3A_82 {
        %add3A_139 = arith.constant 4 : i32
        %add3A_140 = arith.addi %add3A_58, %add3A_139 : i32
        %mul3A_141 = arith.constant 144 : i32
        %mul3A_142 = arith.muli %add3A_140, %mul3A_141 : i32
        %add3A_143 = arith.addi %mul3A_2, %mul3A_142 : i32
        %multiple_of3A_144 = tpu.assume_multiple %add3A_143, 8 : i32
        "tpu.region"() ({
          %run_scoped3A = tpu.sem_alloc : memref<!tpu.dma_semaphore, #tpu.memory_space<semaphore_mem>>
          %dma_start3A_148 = tpu.memref_slice %arg3[%multiple_of3A_144] : memref<165888xi32, #tpu.memory_space<hbm>> -> memref<144xi32, #tpu.memory_space<hbm>>
          %dma_start3A_149 = tpu.memref_slice %arg3[%multiple_of3A_144] : memref<165888xi32, #tpu.memory_space<hbm>> -> memref<144xi32, #tpu.memory_space<hbm>>
          tpu.enqueue_dma source(%dma_start3A_149 : memref<144xi32, #tpu.memory_space<hbm>>) target(%arg6 : memref<144xi32, #tpu.memory_space<vmem>>) target_semaphore(%run_scoped3A : memref<!tpu.dma_semaphore, #tpu.memory_space<semaphore_mem>>)
          %dma_wait3A_150 = tpu.memref_slice %arg3[%multiple_of3A_144] : memref<165888xi32, #tpu.memory_space<hbm>> -> memref<144xi32, #tpu.memory_space<hbm>>
          %dma_wait3A_151 = tpu.memref_slice %arg3[%multiple_of3A_144] : memref<165888xi32, #tpu.memory_space<hbm>> -> memref<144xi32, #tpu.memory_space<hbm>>
          tpu.wait_dma2 semaphore(%run_scoped3A : memref<!tpu.dma_semaphore, #tpu.memory_space<semaphore_mem>>) src(%dma_wait3A_151 : memref<144xi32, #tpu.memory_space<hbm>>) dst(%arg6 : memref<144xi32, #tpu.memory_space<vmem>>)
          tpu.yield
        }) : () -> ()
        %dma_start3A_145 = arith.constant 0 : i32
        %dma_start3A_146 = arith.constant 0 : i32
        %dma_start3A_147 = tpu.memref_slice %arg2[%dma_start3A_145, %dma_start3A_146] : memref<50000x128xf32, #tpu.memory_space<hbm>> -> memref<50000x128xf32, #tpu.memory_space<hbm>>
        tpu.enqueue_indirect_dma source(%dma_start3A_147 : memref<50000x128xf32, #tpu.memory_space<hbm>>) target(%arg10 : memref<144x128xf32, #tpu.memory_space<vmem>>) offsets(%arg6 : memref<144xi32, #tpu.memory_space<vmem>>) semaphore(%arg14 : memref<!tpu.dma_semaphore, #tpu.memory_space<semaphore_mem>>)
      } else {
      }
      %mul3A_83 = arith.constant 4 : i32
      %mul3A_84 = arith.muli %mul3A_83, %scan3A_30 : i32
      %add3A_85 = arith.constant 2 : i32
      %add3A_86 = arith.addi %mul3A_84, %add3A_85 : i32
      %dma_wait3A_87 = arith.constant 0 : i32
      %dma_wait3A_88 = arith.constant 0 : i32
      %dma_wait3A_89 = tpu.memref_slice %arg2[%dma_wait3A_87, %dma_wait3A_88] : memref<50000x128xf32, #tpu.memory_space<hbm>> -> memref<50000x128xf32, #tpu.memory_space<hbm>>
      tpu.wait_indirect_dma semaphore(%arg15 : memref<!tpu.dma_semaphore, #tpu.memory_space<semaphore_mem>>) src(%dma_wait3A_89 : memref<50000x128xf32, #tpu.memory_space<hbm>>) dst(%arg11 : memref<144x128xf32, #tpu.memory_space<vmem>>)
      %mul3A_90 = arith.constant 144 : i32
      %mul3A_91 = arith.muli %add3A_86, %mul3A_90 : i32
      %add3A_92 = arith.addi %mul3A_2, %mul3A_91 : i32
      %multiple_of3A_93 = tpu.assume_multiple %add3A_92, 8 : i32
      %dma_start3A_94 = arith.constant 0 : i32
      %dma_start3A_95 = tpu.memref_slice %arg4[%multiple_of3A_93, %dma_start3A_94] : memref<165888x128xf32, #tpu.memory_space<hbm>> -> memref<144x128xf32, #tpu.memory_space<hbm>>
      %dma_start3A_96 = arith.constant 0 : i32
      %dma_start3A_97 = tpu.memref_slice %arg4[%multiple_of3A_93, %dma_start3A_96] : memref<165888x128xf32, #tpu.memory_space<hbm>> -> memref<144x128xf32, #tpu.memory_space<hbm>>
      tpu.enqueue_dma source(%arg11 : memref<144x128xf32, #tpu.memory_space<vmem>>) target(%dma_start3A_97 : memref<144x128xf32, #tpu.memory_space<hbm>>) target_semaphore(%arg19 : memref<!tpu.dma_semaphore, #tpu.memory_space<semaphore_mem>>)
      %mul3A_98 = arith.constant 144 : i32
      %mul3A_99 = arith.muli %add3A_86, %mul3A_98 : i32
      %add3A_100 = arith.addi %mul3A_2, %mul3A_99 : i32
      %multiple_of3A_101 = tpu.assume_multiple %add3A_100, 8 : i32
      %dma_wait3A_102 = arith.constant 0 : i32
      %dma_wait3A_103 = tpu.memref_slice %arg4[%multiple_of3A_101, %dma_wait3A_102] : memref<165888x128xf32, #tpu.memory_space<hbm>> -> memref<144x128xf32, #tpu.memory_space<hbm>>
      %dma_wait3A_104 = arith.constant 0 : i32
      %dma_wait3A_105 = tpu.memref_slice %arg4[%multiple_of3A_101, %dma_wait3A_104] : memref<165888x128xf32, #tpu.memory_space<hbm>> -> memref<144x128xf32, #tpu.memory_space<hbm>>
      tpu.wait_dma2 semaphore(%arg19 : memref<!tpu.dma_semaphore, #tpu.memory_space<semaphore_mem>>) src(%arg11 : memref<144x128xf32, #tpu.memory_space<vmem>>) dst(%dma_wait3A_105 : memref<144x128xf32, #tpu.memory_space<hbm>>)
      %lt3A_106 = arith.constant 8 : i32
      %lt3A_107 = arith.cmpi slt, %scan3A_30, %lt3A_106 : i32
      %convert_element_type3A_108 = arith.extui %lt3A_107 : i1 to i32
      %cond3A_109 = arith.constant 0 : i32
      %cond3A_110 = arith.cmpi ne, %convert_element_type3A_108, %cond3A_109 : i32
      scf.if %cond3A_110 {
        %add3A_139 = arith.constant 4 : i32
        %add3A_140 = arith.addi %add3A_86, %add3A_139 : i32
        %mul3A_141 = arith.constant 144 : i32
        %mul3A_142 = arith.muli %add3A_140, %mul3A_141 : i32
        %add3A_143 = arith.addi %mul3A_2, %mul3A_142 : i32
        %multiple_of3A_144 = tpu.assume_multiple %add3A_143, 8 : i32
        "tpu.region"() ({
          %run_scoped3A = tpu.sem_alloc : memref<!tpu.dma_semaphore, #tpu.memory_space<semaphore_mem>>
          %dma_start3A_148 = tpu.memref_slice %arg3[%multiple_of3A_144] : memref<165888xi32, #tpu.memory_space<hbm>> -> memref<144xi32, #tpu.memory_space<hbm>>
          %dma_start3A_149 = tpu.memref_slice %arg3[%multiple_of3A_144] : memref<165888xi32, #tpu.memory_space<hbm>> -> memref<144xi32, #tpu.memory_space<hbm>>
          tpu.enqueue_dma source(%dma_start3A_149 : memref<144xi32, #tpu.memory_space<hbm>>) target(%arg7 : memref<144xi32, #tpu.memory_space<vmem>>) target_semaphore(%run_scoped3A : memref<!tpu.dma_semaphore, #tpu.memory_space<semaphore_mem>>)
          %dma_wait3A_150 = tpu.memref_slice %arg3[%multiple_of3A_144] : memref<165888xi32, #tpu.memory_space<hbm>> -> memref<144xi32, #tpu.memory_space<hbm>>
          %dma_wait3A_151 = tpu.memref_slice %arg3[%multiple_of3A_144] : memref<165888xi32, #tpu.memory_space<hbm>> -> memref<144xi32, #tpu.memory_space<hbm>>
          tpu.wait_dma2 semaphore(%run_scoped3A : memref<!tpu.dma_semaphore, #tpu.memory_space<semaphore_mem>>) src(%dma_wait3A_151 : memref<144xi32, #tpu.memory_space<hbm>>) dst(%arg7 : memref<144xi32, #tpu.memory_space<vmem>>)
          tpu.yield
        }) : () -> ()
        %dma_start3A_145 = arith.constant 0 : i32
        %dma_start3A_146 = arith.constant 0 : i32
        %dma_start3A_147 = tpu.memref_slice %arg2[%dma_start3A_145, %dma_start3A_146] : memref<50000x128xf32, #tpu.memory_space<hbm>> -> memref<50000x128xf32, #tpu.memory_space<hbm>>
        tpu.enqueue_indirect_dma source(%dma_start3A_147 : memref<50000x128xf32, #tpu.memory_space<hbm>>) target(%arg11 : memref<144x128xf32, #tpu.memory_space<vmem>>) offsets(%arg7 : memref<144xi32, #tpu.memory_space<vmem>>) semaphore(%arg15 : memref<!tpu.dma_semaphore, #tpu.memory_space<semaphore_mem>>)
      } else {
      }
      %mul3A_111 = arith.constant 4 : i32
      %mul3A_112 = arith.muli %mul3A_111, %scan3A_30 : i32
      %add3A_113 = arith.constant 3 : i32
      %add3A_114 = arith.addi %mul3A_112, %add3A_113 : i32
      %dma_wait3A_115 = arith.constant 0 : i32
      %dma_wait3A_116 = arith.constant 0 : i32
      %dma_wait3A_117 = tpu.memref_slice %arg2[%dma_wait3A_115, %dma_wait3A_116] : memref<50000x128xf32, #tpu.memory_space<hbm>> -> memref<50000x128xf32, #tpu.memory_space<hbm>>
      tpu.wait_indirect_dma semaphore(%arg16 : memref<!tpu.dma_semaphore, #tpu.memory_space<semaphore_mem>>) src(%dma_wait3A_117 : memref<50000x128xf32, #tpu.memory_space<hbm>>) dst(%arg12 : memref<144x128xf32, #tpu.memory_space<vmem>>)
      %mul3A_118 = arith.constant 144 : i32
      %mul3A_119 = arith.muli %add3A_114, %mul3A_118 : i32
      %add3A_120 = arith.addi %mul3A_2, %mul3A_119 : i32
      %multiple_of3A_121 = tpu.assume_multiple %add3A_120, 8 : i32
      %dma_start3A_122 = arith.constant 0 : i32
      %dma_start3A_123 = tpu.memref_slice %arg4[%multiple_of3A_121, %dma_start3A_122] : memref<165888x128xf32, #tpu.memory_space<hbm>> -> memref<144x128xf32, #tpu.memory_space<hbm>>
      %dma_start3A_124 = arith.constant 0 : i32
      %dma_start3A_125 = tpu.memref_slice %arg4[%multiple_of3A_121, %dma_start3A_124] : memref<165888x128xf32, #tpu.memory_space<hbm>> -> memref<144x128xf32, #tpu.memory_space<hbm>>
      tpu.enqueue_dma source(%arg12 : memref<144x128xf32, #tpu.memory_space<vmem>>) target(%dma_start3A_125 : memref<144x128xf32, #tpu.memory_space<hbm>>) target_semaphore(%arg20 : memref<!tpu.dma_semaphore, #tpu.memory_space<semaphore_mem>>)
      %mul3A_126 = arith.constant 144 : i32
      %mul3A_127 = arith.muli %add3A_114, %mul3A_126 : i32
      %add3A_128 = arith.addi %mul3A_2, %mul3A_127 : i32
      %multiple_of3A_129 = tpu.assume_multiple %add3A_128, 8 : i32
      %dma_wait3A_130 = arith.constant 0 : i32
      %dma_wait3A_131 = tpu.memref_slice %arg4[%multiple_of3A_129, %dma_wait3A_130] : memref<165888x128xf32, #tpu.memory_space<hbm>> -> memref<144x128xf32, #tpu.memory_space<hbm>>
      %dma_wait3A_132 = arith.constant 0 : i32
      %dma_wait3A_133 = tpu.memref_slice %arg4[%multiple_of3A_129, %dma_wait3A_132] : memref<165888x128xf32, #tpu.memory_space<hbm>> -> memref<144x128xf32, #tpu.memory_space<hbm>>
      tpu.wait_dma2 semaphore(%arg20 : memref<!tpu.dma_semaphore, #tpu.memory_space<semaphore_mem>>) src(%arg12 : memref<144x128xf32, #tpu.memory_space<vmem>>) dst(%dma_wait3A_133 : memref<144x128xf32, #tpu.memory_space<hbm>>)
      %lt3A_134 = arith.constant 8 : i32
      %lt3A_135 = arith.cmpi slt, %scan3A_30, %lt3A_134 : i32
      %convert_element_type3A_136 = arith.extui %lt3A_135 : i1 to i32
      %cond3A_137 = arith.constant 0 : i32
      %cond3A_138 = arith.cmpi ne, %convert_element_type3A_136, %cond3A_137 : i32
      scf.if %cond3A_138 {
        %add3A_139 = arith.constant 4 : i32
        %add3A_140 = arith.addi %add3A_114, %add3A_139 : i32
        %mul3A_141 = arith.constant 144 : i32
        %mul3A_142 = arith.muli %add3A_140, %mul3A_141 : i32
        %add3A_143 = arith.addi %mul3A_2, %mul3A_142 : i32
        %multiple_of3A_144 = tpu.assume_multiple %add3A_143, 8 : i32
        "tpu.region"() ({
          %run_scoped3A = tpu.sem_alloc : memref<!tpu.dma_semaphore, #tpu.memory_space<semaphore_mem>>
          %dma_start3A_148 = tpu.memref_slice %arg3[%multiple_of3A_144] : memref<165888xi32, #tpu.memory_space<hbm>> -> memref<144xi32, #tpu.memory_space<hbm>>
          %dma_start3A_149 = tpu.memref_slice %arg3[%multiple_of3A_144] : memref<165888xi32, #tpu.memory_space<hbm>> -> memref<144xi32, #tpu.memory_space<hbm>>
          tpu.enqueue_dma source(%dma_start3A_149 : memref<144xi32, #tpu.memory_space<hbm>>) target(%arg8 : memref<144xi32, #tpu.memory_space<vmem>>) target_semaphore(%run_scoped3A : memref<!tpu.dma_semaphore, #tpu.memory_space<semaphore_mem>>)
          %dma_wait3A_150 = tpu.memref_slice %arg3[%multiple_of3A_144] : memref<165888xi32, #tpu.memory_space<hbm>> -> memref<144xi32, #tpu.memory_space<hbm>>
          %dma_wait3A_151 = tpu.memref_slice %arg3[%multiple_of3A_144] : memref<165888xi32, #tpu.memory_space<hbm>> -> memref<144xi32, #tpu.memory_space<hbm>>
          tpu.wait_dma2 semaphore(%run_scoped3A : memref<!tpu.dma_semaphore, #tpu.memory_space<semaphore_mem>>) src(%dma_wait3A_151 : memref<144xi32, #tpu.memory_space<hbm>>) dst(%arg8 : memref<144xi32, #tpu.memory_space<vmem>>)
          tpu.yield
        }) : () -> ()
        %dma_start3A_145 = arith.constant 0 : i32
        %dma_start3A_146 = arith.constant 0 : i32
        %dma_start3A_147 = tpu.memref_slice %arg2[%dma_start3A_145, %dma_start3A_146] : memref<50000x128xf32, #tpu.memory_space<hbm>> -> memref<50000x128xf32, #tpu.memory_space<hbm>>
        tpu.enqueue_indirect_dma source(%dma_start3A_147 : memref<50000x128xf32, #tpu.memory_space<hbm>>) target(%arg12 : memref<144x128xf32, #tpu.memory_space<vmem>>) offsets(%arg8 : memref<144xi32, #tpu.memory_space<vmem>>) semaphore(%arg16 : memref<!tpu.dma_semaphore, #tpu.memory_space<semaphore_mem>>)
      } else {
      }
    }
    %scan3A_29 = arith.constant 9 : i32
    return
  }
}

#map = affine_map<(d0, d1) -> (0, 0)>
#map1 = affine_map<(d0, d1) -> (0)>
module attributes {stable_mosaic.version = 14 : i64} {
  func.func @sc_gather(%arg0: i32, %arg1: i32, %arg2: memref<50000x128xf32, #tpu.memory_space<hbm>>, %arg3: memref<165888xi32, #tpu.memory_space<hbm>>, %arg4: memref<165888x128xf32, #tpu.memory_space<hbm>>, %arg5: memref<144xi32, #tpu.memory_space<vmem>>, %arg6: memref<144xi32, #tpu.memory_space<vmem>>, %arg7: memref<144xi32, #tpu.memory_space<vmem>>, %arg8: memref<144xi32, #tpu.memory_space<vmem>>, %arg9: memref<144x128xf32, #tpu.memory_space<vmem>>, %arg10: memref<144x128xf32, #tpu.memory_space<vmem>>, %arg11: memref<144x128xf32, #tpu.memory_space<vmem>>, %arg12: memref<144x128xf32, #tpu.memory_space<vmem>>, %arg13: memref<!tpu.dma_semaphore, #tpu.memory_space<semaphore_mem>>, %arg14: memref<!tpu.dma_semaphore, #tpu.memory_space<semaphore_mem>>, %arg15: memref<!tpu.dma_semaphore, #tpu.memory_space<semaphore_mem>>, %arg16: memref<!tpu.dma_semaphore, #tpu.memory_space<semaphore_mem>>, %arg17: memref<!tpu.dma_semaphore, #tpu.memory_space<semaphore_mem>>, %arg18: memref<!tpu.dma_semaphore, #tpu.memory_space<semaphore_mem>>, %arg19: memref<!tpu.dma_semaphore, #tpu.memory_space<semaphore_mem>>, %arg20: memref<!tpu.dma_semaphore, #tpu.memory_space<semaphore_mem>>) attributes {dimension_semantics = [#tpu.dimension_semantics<core_parallel>, #tpu.dimension_semantics<subcore_parallel>], iteration_bounds = array<i64: 2, 16>, scalar_prefetch = 0 : i64, scratch_operands = 16 : i64, tpu.core_type = #tpu.core_type<sc_vector_subcore>, window_params = [{transform_indices = #map}, {transform_indices = #map1}, {transform_indices = #map}]} {
    %mul3A = arith.constant 2 : i32
    %mul3A_0 = arith.muli %arg1, %mul3A : i32
    %add3A = arith.addi %mul3A_0, %arg0 : i32
    %mul3A_1 = arith.constant 5184 : i32
    %mul3A_2 = arith.muli %add3A, %mul3A_1 : i32
    %add3A_3 = arith.constant 0 : i32
    %add3A_4 = arith.addi %mul3A_2, %add3A_3 : i32
    %multiple_of3A = tpu.assume_multiple %add3A_4, 8 : i32
    "tpu.region"() ({
      %run_scoped3A = tpu.sem_alloc : memref<!tpu.dma_semaphore, #tpu.memory_space<semaphore_mem>>
      %dma_start3A_30 = tpu.memref_slice %arg3[%multiple_of3A] : memref<165888xi32, #tpu.memory_space<hbm>> -> memref<144xi32, #tpu.memory_space<hbm>>
      %dma_start3A_31 = tpu.memref_slice %arg3[%multiple_of3A] : memref<165888xi32, #tpu.memory_space<hbm>> -> memref<144xi32, #tpu.memory_space<hbm>>
      tpu.enqueue_dma source(%dma_start3A_31 : memref<144xi32, #tpu.memory_space<hbm>>) target(%arg5 : memref<144xi32, #tpu.memory_space<vmem>>) target_semaphore(%run_scoped3A : memref<!tpu.dma_semaphore, #tpu.memory_space<semaphore_mem>>)
      %dma_wait3A = tpu.memref_slice %arg3[%multiple_of3A] : memref<165888xi32, #tpu.memory_space<hbm>> -> memref<144xi32, #tpu.memory_space<hbm>>
      %dma_wait3A_32 = tpu.memref_slice %arg3[%multiple_of3A] : memref<165888xi32, #tpu.memory_space<hbm>> -> memref<144xi32, #tpu.memory_space<hbm>>
      tpu.wait_dma2 semaphore(%run_scoped3A : memref<!tpu.dma_semaphore, #tpu.memory_space<semaphore_mem>>) src(%dma_wait3A_32 : memref<144xi32, #tpu.memory_space<hbm>>) dst(%arg5 : memref<144xi32, #tpu.memory_space<vmem>>)
      tpu.yield
    }) : () -> ()
    %dma_start3A = arith.constant 0 : i32
    %dma_start3A_5 = arith.constant 0 : i32
    %dma_start3A_6 = tpu.memref_slice %arg2[%dma_start3A, %dma_start3A_5] : memref<50000x128xf32, #tpu.memory_space<hbm>> -> memref<50000x128xf32, #tpu.memory_space<hbm>>
    tpu.enqueue_indirect_dma source(%dma_start3A_6 : memref<50000x128xf32, #tpu.memory_space<hbm>>) target(%arg9 : memref<144x128xf32, #tpu.memory_space<vmem>>) offsets(%arg5 : memref<144xi32, #tpu.memory_space<vmem>>) semaphore(%arg13 : memref<!tpu.dma_semaphore, #tpu.memory_space<semaphore_mem>>)
    %add3A_7 = arith.constant 144 : i32
    %add3A_8 = arith.addi %mul3A_2, %add3A_7 : i32
    %multiple_of3A_9 = tpu.assume_multiple %add3A_8, 8 : i32
    "tpu.region"() ({
      %run_scoped3A = tpu.sem_alloc : memref<!tpu.dma_semaphore, #tpu.memory_space<semaphore_mem>>
      %dma_start3A_30 = tpu.memref_slice %arg3[%multiple_of3A_9] : memref<165888xi32, #tpu.memory_space<hbm>> -> memref<144xi32, #tpu.memory_space<hbm>>
      %dma_start3A_31 = tpu.memref_slice %arg3[%multiple_of3A_9] : memref<165888xi32, #tpu.memory_space<hbm>> -> memref<144xi32, #tpu.memory_space<hbm>>
      tpu.enqueue_dma source(%dma_start3A_31 : memref<144xi32, #tpu.memory_space<hbm>>) target(%arg6 : memref<144xi32, #tpu.memory_space<vmem>>) target_semaphore(%run_scoped3A : memref<!tpu.dma_semaphore, #tpu.memory_space<semaphore_mem>>)
      %dma_wait3A = tpu.memref_slice %arg3[%multiple_of3A_9] : memref<165888xi32, #tpu.memory_space<hbm>> -> memref<144xi32, #tpu.memory_space<hbm>>
      %dma_wait3A_32 = tpu.memref_slice %arg3[%multiple_of3A_9] : memref<165888xi32, #tpu.memory_space<hbm>> -> memref<144xi32, #tpu.memory_space<hbm>>
      tpu.wait_dma2 semaphore(%run_scoped3A : memref<!tpu.dma_semaphore, #tpu.memory_space<semaphore_mem>>) src(%dma_wait3A_32 : memref<144xi32, #tpu.memory_space<hbm>>) dst(%arg6 : memref<144xi32, #tpu.memory_space<vmem>>)
      tpu.yield
    }) : () -> ()
    %dma_start3A_10 = arith.constant 0 : i32
    %dma_start3A_11 = arith.constant 0 : i32
    %dma_start3A_12 = tpu.memref_slice %arg2[%dma_start3A_10, %dma_start3A_11] : memref<50000x128xf32, #tpu.memory_space<hbm>> -> memref<50000x128xf32, #tpu.memory_space<hbm>>
    tpu.enqueue_indirect_dma source(%dma_start3A_12 : memref<50000x128xf32, #tpu.memory_space<hbm>>) target(%arg10 : memref<144x128xf32, #tpu.memory_space<vmem>>) offsets(%arg6 : memref<144xi32, #tpu.memory_space<vmem>>) semaphore(%arg14 : memref<!tpu.dma_semaphore, #tpu.memory_space<semaphore_mem>>)
    %add3A_13 = arith.constant 288 : i32
    %add3A_14 = arith.addi %mul3A_2, %add3A_13 : i32
    %multiple_of3A_15 = tpu.assume_multiple %add3A_14, 8 : i32
    "tpu.region"() ({
      %run_scoped3A = tpu.sem_alloc : memref<!tpu.dma_semaphore, #tpu.memory_space<semaphore_mem>>
      %dma_start3A_30 = tpu.memref_slice %arg3[%multiple_of3A_15] : memref<165888xi32, #tpu.memory_space<hbm>> -> memref<144xi32, #tpu.memory_space<hbm>>
      %dma_start3A_31 = tpu.memref_slice %arg3[%multiple_of3A_15] : memref<165888xi32, #tpu.memory_space<hbm>> -> memref<144xi32, #tpu.memory_space<hbm>>
      tpu.enqueue_dma source(%dma_start3A_31 : memref<144xi32, #tpu.memory_space<hbm>>) target(%arg7 : memref<144xi32, #tpu.memory_space<vmem>>) target_semaphore(%run_scoped3A : memref<!tpu.dma_semaphore, #tpu.memory_space<semaphore_mem>>)
      %dma_wait3A = tpu.memref_slice %arg3[%multiple_of3A_15] : memref<165888xi32, #tpu.memory_space<hbm>> -> memref<144xi32, #tpu.memory_space<hbm>>
      %dma_wait3A_32 = tpu.memref_slice %arg3[%multiple_of3A_15] : memref<165888xi32, #tpu.memory_space<hbm>> -> memref<144xi32, #tpu.memory_space<hbm>>
      tpu.wait_dma2 semaphore(%run_scoped3A : memref<!tpu.dma_semaphore, #tpu.memory_space<semaphore_mem>>) src(%dma_wait3A_32 : memref<144xi32, #tpu.memory_space<hbm>>) dst(%arg7 : memref<144xi32, #tpu.memory_space<vmem>>)
      tpu.yield
    }) : () -> ()
    %dma_start3A_16 = arith.constant 0 : i32
    %dma_start3A_17 = arith.constant 0 : i32
    %dma_start3A_18 = tpu.memref_slice %arg2[%dma_start3A_16, %dma_start3A_17] : memref<50000x128xf32, #tpu.memory_space<hbm>> -> memref<50000x128xf32, #tpu.memory_space<hbm>>
    tpu.enqueue_indirect_dma source(%dma_start3A_18 : memref<50000x128xf32, #tpu.memory_space<hbm>>) target(%arg11 : memref<144x128xf32, #tpu.memory_space<vmem>>) offsets(%arg7 : memref<144xi32, #tpu.memory_space<vmem>>) semaphore(%arg15 : memref<!tpu.dma_semaphore, #tpu.memory_space<semaphore_mem>>)
    %add3A_19 = arith.constant 432 : i32
    %add3A_20 = arith.addi %mul3A_2, %add3A_19 : i32
    %multiple_of3A_21 = tpu.assume_multiple %add3A_20, 8 : i32
    "tpu.region"() ({
      %run_scoped3A = tpu.sem_alloc : memref<!tpu.dma_semaphore, #tpu.memory_space<semaphore_mem>>
      %dma_start3A_30 = tpu.memref_slice %arg3[%multiple_of3A_21] : memref<165888xi32, #tpu.memory_space<hbm>> -> memref<144xi32, #tpu.memory_space<hbm>>
      %dma_start3A_31 = tpu.memref_slice %arg3[%multiple_of3A_21] : memref<165888xi32, #tpu.memory_space<hbm>> -> memref<144xi32, #tpu.memory_space<hbm>>
      tpu.enqueue_dma source(%dma_start3A_31 : memref<144xi32, #tpu.memory_space<hbm>>) target(%arg8 : memref<144xi32, #tpu.memory_space<vmem>>) target_semaphore(%run_scoped3A : memref<!tpu.dma_semaphore, #tpu.memory_space<semaphore_mem>>)
      %dma_wait3A = tpu.memref_slice %arg3[%multiple_of3A_21] : memref<165888xi32, #tpu.memory_space<hbm>> -> memref<144xi32, #tpu.memory_space<hbm>>
      %dma_wait3A_32 = tpu.memref_slice %arg3[%multiple_of3A_21] : memref<165888xi32, #tpu.memory_space<hbm>> -> memref<144xi32, #tpu.memory_space<hbm>>
      tpu.wait_dma2 semaphore(%run_scoped3A : memref<!tpu.dma_semaphore, #tpu.memory_space<semaphore_mem>>) src(%dma_wait3A_32 : memref<144xi32, #tpu.memory_space<hbm>>) dst(%arg8 : memref<144xi32, #tpu.memory_space<vmem>>)
      tpu.yield
    }) : () -> ()
    %dma_start3A_22 = arith.constant 0 : i32
    %dma_start3A_23 = arith.constant 0 : i32
    %dma_start3A_24 = tpu.memref_slice %arg2[%dma_start3A_22, %dma_start3A_23] : memref<50000x128xf32, #tpu.memory_space<hbm>> -> memref<50000x128xf32, #tpu.memory_space<hbm>>
    tpu.enqueue_indirect_dma source(%dma_start3A_24 : memref<50000x128xf32, #tpu.memory_space<hbm>>) target(%arg12 : memref<144x128xf32, #tpu.memory_space<vmem>>) offsets(%arg8 : memref<144xi32, #tpu.memory_space<vmem>>) semaphore(%arg16 : memref<!tpu.dma_semaphore, #tpu.memory_space<semaphore_mem>>)
    %scan3A = arith.constant 0 : i32
    %scan3A_25 = arith.constant 0 : i32
    %scan3A_26 = arith.constant 9 : i32
    %scan3A_27 = arith.addi %scan3A_25, %scan3A_26 : i32
    %scan3A_28 = arith.constant 1 : i32
    scf.for %scan3A_30 = %scan3A_25 to %scan3A_27 step %scan3A_28  : i32 {
      %mul3A_31 = arith.constant 4 : i32
      %mul3A_32 = arith.muli %mul3A_31, %scan3A_30 : i32
      %add3A_33 = arith.constant 0 : i32
      %add3A_34 = arith.addi %mul3A_32, %add3A_33 : i32
      %dma_wait3A = arith.constant 0 : i32
      %dma_wait3A_35 = arith.constant 0 : i32
      %dma_wait3A_36 = tpu.memref_slice %arg2[%dma_wait3A, %dma_wait3A_35] : memref<50000x128xf32, #tpu.memory_space<hbm>> -> memref<50000x128xf32, #tpu.memory_space<hbm>>
      tpu.wait_indirect_dma semaphore(%arg13 : memref<!tpu.dma_semaphore, #tpu.memory_space<semaphore_mem>>) src(%dma_wait3A_36 : memref<50000x128xf32, #tpu.memory_space<hbm>>) dst(%arg9 : memref<144x128xf32, #tpu.memory_space<vmem>>)
      %mul3A_37 = arith.constant 144 : i32
      %mul3A_38 = arith.muli %add3A_34, %mul3A_37 : i32
      %add3A_39 = arith.addi %mul3A_2, %mul3A_38 : i32
      %multiple_of3A_40 = tpu.assume_multiple %add3A_39, 8 : i32
      %dma_start3A_41 = arith.constant 0 : i32
      %dma_start3A_42 = tpu.memref_slice %arg4[%multiple_of3A_40, %dma_start3A_41] : memref<165888x128xf32, #tpu.memory_space<hbm>> -> memref<144x128xf32, #tpu.memory_space<hbm>>
      %dma_start3A_43 = arith.constant 0 : i32
      %dma_start3A_44 = tpu.memref_slice %arg4[%multiple_of3A_40, %dma_start3A_43] : memref<165888x128xf32, #tpu.memory_space<hbm>> -> memref<144x128xf32, #tpu.memory_space<hbm>>
      tpu.enqueue_dma source(%arg9 : memref<144x128xf32, #tpu.memory_space<vmem>>) target(%dma_start3A_44 : memref<144x128xf32, #tpu.memory_space<hbm>>) target_semaphore(%arg17 : memref<!tpu.dma_semaphore, #tpu.memory_space<semaphore_mem>>)
      %mul3A_45 = arith.constant 144 : i32
      %mul3A_46 = arith.muli %add3A_34, %mul3A_45 : i32
      %add3A_47 = arith.addi %mul3A_2, %mul3A_46 : i32
      %multiple_of3A_48 = tpu.assume_multiple %add3A_47, 8 : i32
      %dma_wait3A_49 = arith.constant 0 : i32
      %dma_wait3A_50 = tpu.memref_slice %arg4[%multiple_of3A_48, %dma_wait3A_49] : memref<165888x128xf32, #tpu.memory_space<hbm>> -> memref<144x128xf32, #tpu.memory_space<hbm>>
      %dma_wait3A_51 = arith.constant 0 : i32
      %dma_wait3A_52 = tpu.memref_slice %arg4[%multiple_of3A_48, %dma_wait3A_51] : memref<165888x128xf32, #tpu.memory_space<hbm>> -> memref<144x128xf32, #tpu.memory_space<hbm>>
      tpu.wait_dma2 semaphore(%arg17 : memref<!tpu.dma_semaphore, #tpu.memory_space<semaphore_mem>>) src(%arg9 : memref<144x128xf32, #tpu.memory_space<vmem>>) dst(%dma_wait3A_52 : memref<144x128xf32, #tpu.memory_space<hbm>>)
      %lt3A = arith.constant 8 : i32
      %lt3A_53 = arith.cmpi slt, %scan3A_30, %lt3A : i32
      %convert_element_type3A = arith.extui %lt3A_53 : i1 to i32
      %cond3A = arith.constant 0 : i32
      %cond3A_54 = arith.cmpi ne, %convert_element_type3A, %cond3A : i32
      scf.if %cond3A_54 {
        %add3A_139 = arith.constant 4 : i32
        %add3A_140 = arith.addi %add3A_34, %add3A_139 : i32
        %mul3A_141 = arith.constant 144 : i32
        %mul3A_142 = arith.muli %add3A_140, %mul3A_141 : i32
        %add3A_143 = arith.addi %mul3A_2, %mul3A_142 : i32
        %multiple_of3A_144 = tpu.assume_multiple %add3A_143, 8 : i32
        "tpu.region"() ({
          %run_scoped3A = tpu.sem_alloc : memref<!tpu.dma_semaphore, #tpu.memory_space<semaphore_mem>>
          %dma_start3A_148 = tpu.memref_slice %arg3[%multiple_of3A_144] : memref<165888xi32, #tpu.memory_space<hbm>> -> memref<144xi32, #tpu.memory_space<hbm>>
          %dma_start3A_149 = tpu.memref_slice %arg3[%multiple_of3A_144] : memref<165888xi32, #tpu.memory_space<hbm>> -> memref<144xi32, #tpu.memory_space<hbm>>
          tpu.enqueue_dma source(%dma_start3A_149 : memref<144xi32, #tpu.memory_space<hbm>>) target(%arg5 : memref<144xi32, #tpu.memory_space<vmem>>) target_semaphore(%run_scoped3A : memref<!tpu.dma_semaphore, #tpu.memory_space<semaphore_mem>>)
          %dma_wait3A_150 = tpu.memref_slice %arg3[%multiple_of3A_144] : memref<165888xi32, #tpu.memory_space<hbm>> -> memref<144xi32, #tpu.memory_space<hbm>>
          %dma_wait3A_151 = tpu.memref_slice %arg3[%multiple_of3A_144] : memref<165888xi32, #tpu.memory_space<hbm>> -> memref<144xi32, #tpu.memory_space<hbm>>
          tpu.wait_dma2 semaphore(%run_scoped3A : memref<!tpu.dma_semaphore, #tpu.memory_space<semaphore_mem>>) src(%dma_wait3A_151 : memref<144xi32, #tpu.memory_space<hbm>>) dst(%arg5 : memref<144xi32, #tpu.memory_space<vmem>>)
          tpu.yield
        }) : () -> ()
        %dma_start3A_145 = arith.constant 0 : i32
        %dma_start3A_146 = arith.constant 0 : i32
        %dma_start3A_147 = tpu.memref_slice %arg2[%dma_start3A_145, %dma_start3A_146] : memref<50000x128xf32, #tpu.memory_space<hbm>> -> memref<50000x128xf32, #tpu.memory_space<hbm>>
        tpu.enqueue_indirect_dma source(%dma_start3A_147 : memref<50000x128xf32, #tpu.memory_space<hbm>>) target(%arg9 : memref<144x128xf32, #tpu.memory_space<vmem>>) offsets(%arg5 : memref<144xi32, #tpu.memory_space<vmem>>) semaphore(%arg13 : memref<!tpu.dma_semaphore, #tpu.memory_space<semaphore_mem>>)
      } else {
      }
      %mul3A_55 = arith.constant 4 : i32
      %mul3A_56 = arith.muli %mul3A_55, %scan3A_30 : i32
      %add3A_57 = arith.constant 1 : i32
      %add3A_58 = arith.addi %mul3A_56, %add3A_57 : i32
      %dma_wait3A_59 = arith.constant 0 : i32
      %dma_wait3A_60 = arith.constant 0 : i32
      %dma_wait3A_61 = tpu.memref_slice %arg2[%dma_wait3A_59, %dma_wait3A_60] : memref<50000x128xf32, #tpu.memory_space<hbm>> -> memref<50000x128xf32, #tpu.memory_space<hbm>>
      tpu.wait_indirect_dma semaphore(%arg14 : memref<!tpu.dma_semaphore, #tpu.memory_space<semaphore_mem>>) src(%dma_wait3A_61 : memref<50000x128xf32, #tpu.memory_space<hbm>>) dst(%arg10 : memref<144x128xf32, #tpu.memory_space<vmem>>)
      %mul3A_62 = arith.constant 144 : i32
      %mul3A_63 = arith.muli %add3A_58, %mul3A_62 : i32
      %add3A_64 = arith.addi %mul3A_2, %mul3A_63 : i32
      %multiple_of3A_65 = tpu.assume_multiple %add3A_64, 8 : i32
      %dma_start3A_66 = arith.constant 0 : i32
      %dma_start3A_67 = tpu.memref_slice %arg4[%multiple_of3A_65, %dma_start3A_66] : memref<165888x128xf32, #tpu.memory_space<hbm>> -> memref<144x128xf32, #tpu.memory_space<hbm>>
      %dma_start3A_68 = arith.constant 0 : i32
      %dma_start3A_69 = tpu.memref_slice %arg4[%multiple_of3A_65, %dma_start3A_68] : memref<165888x128xf32, #tpu.memory_space<hbm>> -> memref<144x128xf32, #tpu.memory_space<hbm>>
      tpu.enqueue_dma source(%arg10 : memref<144x128xf32, #tpu.memory_space<vmem>>) target(%dma_start3A_69 : memref<144x128xf32, #tpu.memory_space<hbm>>) target_semaphore(%arg18 : memref<!tpu.dma_semaphore, #tpu.memory_space<semaphore_mem>>)
      %mul3A_70 = arith.constant 144 : i32
      %mul3A_71 = arith.muli %add3A_58, %mul3A_70 : i32
      %add3A_72 = arith.addi %mul3A_2, %mul3A_71 : i32
      %multiple_of3A_73 = tpu.assume_multiple %add3A_72, 8 : i32
      %dma_wait3A_74 = arith.constant 0 : i32
      %dma_wait3A_75 = tpu.memref_slice %arg4[%multiple_of3A_73, %dma_wait3A_74] : memref<165888x128xf32, #tpu.memory_space<hbm>> -> memref<144x128xf32, #tpu.memory_space<hbm>>
      %dma_wait3A_76 = arith.constant 0 : i32
      %dma_wait3A_77 = tpu.memref_slice %arg4[%multiple_of3A_73, %dma_wait3A_76] : memref<165888x128xf32, #tpu.memory_space<hbm>> -> memref<144x128xf32, #tpu.memory_space<hbm>>
      tpu.wait_dma2 semaphore(%arg18 : memref<!tpu.dma_semaphore, #tpu.memory_space<semaphore_mem>>) src(%arg10 : memref<144x128xf32, #tpu.memory_space<vmem>>) dst(%dma_wait3A_77 : memref<144x128xf32, #tpu.memory_space<hbm>>)
      %lt3A_78 = arith.constant 8 : i32
      %lt3A_79 = arith.cmpi slt, %scan3A_30, %lt3A_78 : i32
      %convert_element_type3A_80 = arith.extui %lt3A_79 : i1 to i32
      %cond3A_81 = arith.constant 0 : i32
      %cond3A_82 = arith.cmpi ne, %convert_element_type3A_80, %cond3A_81 : i32
      scf.if %cond3A_82 {
        %add3A_139 = arith.constant 4 : i32
        %add3A_140 = arith.addi %add3A_58, %add3A_139 : i32
        %mul3A_141 = arith.constant 144 : i32
        %mul3A_142 = arith.muli %add3A_140, %mul3A_141 : i32
        %add3A_143 = arith.addi %mul3A_2, %mul3A_142 : i32
        %multiple_of3A_144 = tpu.assume_multiple %add3A_143, 8 : i32
        "tpu.region"() ({
          %run_scoped3A = tpu.sem_alloc : memref<!tpu.dma_semaphore, #tpu.memory_space<semaphore_mem>>
          %dma_start3A_148 = tpu.memref_slice %arg3[%multiple_of3A_144] : memref<165888xi32, #tpu.memory_space<hbm>> -> memref<144xi32, #tpu.memory_space<hbm>>
          %dma_start3A_149 = tpu.memref_slice %arg3[%multiple_of3A_144] : memref<165888xi32, #tpu.memory_space<hbm>> -> memref<144xi32, #tpu.memory_space<hbm>>
          tpu.enqueue_dma source(%dma_start3A_149 : memref<144xi32, #tpu.memory_space<hbm>>) target(%arg6 : memref<144xi32, #tpu.memory_space<vmem>>) target_semaphore(%run_scoped3A : memref<!tpu.dma_semaphore, #tpu.memory_space<semaphore_mem>>)
          %dma_wait3A_150 = tpu.memref_slice %arg3[%multiple_of3A_144] : memref<165888xi32, #tpu.memory_space<hbm>> -> memref<144xi32, #tpu.memory_space<hbm>>
          %dma_wait3A_151 = tpu.memref_slice %arg3[%multiple_of3A_144] : memref<165888xi32, #tpu.memory_space<hbm>> -> memref<144xi32, #tpu.memory_space<hbm>>
          tpu.wait_dma2 semaphore(%run_scoped3A : memref<!tpu.dma_semaphore, #tpu.memory_space<semaphore_mem>>) src(%dma_wait3A_151 : memref<144xi32, #tpu.memory_space<hbm>>) dst(%arg6 : memref<144xi32, #tpu.memory_space<vmem>>)
          tpu.yield
        }) : () -> ()
        %dma_start3A_145 = arith.constant 0 : i32
        %dma_start3A_146 = arith.constant 0 : i32
        %dma_start3A_147 = tpu.memref_slice %arg2[%dma_start3A_145, %dma_start3A_146] : memref<50000x128xf32, #tpu.memory_space<hbm>> -> memref<50000x128xf32, #tpu.memory_space<hbm>>
        tpu.enqueue_indirect_dma source(%dma_start3A_147 : memref<50000x128xf32, #tpu.memory_space<hbm>>) target(%arg10 : memref<144x128xf32, #tpu.memory_space<vmem>>) offsets(%arg6 : memref<144xi32, #tpu.memory_space<vmem>>) semaphore(%arg14 : memref<!tpu.dma_semaphore, #tpu.memory_space<semaphore_mem>>)
      } else {
      }
      %mul3A_83 = arith.constant 4 : i32
      %mul3A_84 = arith.muli %mul3A_83, %scan3A_30 : i32
      %add3A_85 = arith.constant 2 : i32
      %add3A_86 = arith.addi %mul3A_84, %add3A_85 : i32
      %dma_wait3A_87 = arith.constant 0 : i32
      %dma_wait3A_88 = arith.constant 0 : i32
      %dma_wait3A_89 = tpu.memref_slice %arg2[%dma_wait3A_87, %dma_wait3A_88] : memref<50000x128xf32, #tpu.memory_space<hbm>> -> memref<50000x128xf32, #tpu.memory_space<hbm>>
      tpu.wait_indirect_dma semaphore(%arg15 : memref<!tpu.dma_semaphore, #tpu.memory_space<semaphore_mem>>) src(%dma_wait3A_89 : memref<50000x128xf32, #tpu.memory_space<hbm>>) dst(%arg11 : memref<144x128xf32, #tpu.memory_space<vmem>>)
      %mul3A_90 = arith.constant 144 : i32
      %mul3A_91 = arith.muli %add3A_86, %mul3A_90 : i32
      %add3A_92 = arith.addi %mul3A_2, %mul3A_91 : i32
      %multiple_of3A_93 = tpu.assume_multiple %add3A_92, 8 : i32
      %dma_start3A_94 = arith.constant 0 : i32
      %dma_start3A_95 = tpu.memref_slice %arg4[%multiple_of3A_93, %dma_start3A_94] : memref<165888x128xf32, #tpu.memory_space<hbm>> -> memref<144x128xf32, #tpu.memory_space<hbm>>
      %dma_start3A_96 = arith.constant 0 : i32
      %dma_start3A_97 = tpu.memref_slice %arg4[%multiple_of3A_93, %dma_start3A_96] : memref<165888x128xf32, #tpu.memory_space<hbm>> -> memref<144x128xf32, #tpu.memory_space<hbm>>
      tpu.enqueue_dma source(%arg11 : memref<144x128xf32, #tpu.memory_space<vmem>>) target(%dma_start3A_97 : memref<144x128xf32, #tpu.memory_space<hbm>>) target_semaphore(%arg19 : memref<!tpu.dma_semaphore, #tpu.memory_space<semaphore_mem>>)
      %mul3A_98 = arith.constant 144 : i32
      %mul3A_99 = arith.muli %add3A_86, %mul3A_98 : i32
      %add3A_100 = arith.addi %mul3A_2, %mul3A_99 : i32
      %multiple_of3A_101 = tpu.assume_multiple %add3A_100, 8 : i32
      %dma_wait3A_102 = arith.constant 0 : i32
      %dma_wait3A_103 = tpu.memref_slice %arg4[%multiple_of3A_101, %dma_wait3A_102] : memref<165888x128xf32, #tpu.memory_space<hbm>> -> memref<144x128xf32, #tpu.memory_space<hbm>>
      %dma_wait3A_104 = arith.constant 0 : i32
      %dma_wait3A_105 = tpu.memref_slice %arg4[%multiple_of3A_101, %dma_wait3A_104] : memref<165888x128xf32, #tpu.memory_space<hbm>> -> memref<144x128xf32, #tpu.memory_space<hbm>>
      tpu.wait_dma2 semaphore(%arg19 : memref<!tpu.dma_semaphore, #tpu.memory_space<semaphore_mem>>) src(%arg11 : memref<144x128xf32, #tpu.memory_space<vmem>>) dst(%dma_wait3A_105 : memref<144x128xf32, #tpu.memory_space<hbm>>)
      %lt3A_106 = arith.constant 8 : i32
      %lt3A_107 = arith.cmpi slt, %scan3A_30, %lt3A_106 : i32
      %convert_element_type3A_108 = arith.extui %lt3A_107 : i1 to i32
      %cond3A_109 = arith.constant 0 : i32
      %cond3A_110 = arith.cmpi ne, %convert_element_type3A_108, %cond3A_109 : i32
      scf.if %cond3A_110 {
        %add3A_139 = arith.constant 4 : i32
        %add3A_140 = arith.addi %add3A_86, %add3A_139 : i32
        %mul3A_141 = arith.constant 144 : i32
        %mul3A_142 = arith.muli %add3A_140, %mul3A_141 : i32
        %add3A_143 = arith.addi %mul3A_2, %mul3A_142 : i32
        %multiple_of3A_144 = tpu.assume_multiple %add3A_143, 8 : i32
        "tpu.region"() ({
          %run_scoped3A = tpu.sem_alloc : memref<!tpu.dma_semaphore, #tpu.memory_space<semaphore_mem>>
          %dma_start3A_148 = tpu.memref_slice %arg3[%multiple_of3A_144] : memref<165888xi32, #tpu.memory_space<hbm>> -> memref<144xi32, #tpu.memory_space<hbm>>
          %dma_start3A_149 = tpu.memref_slice %arg3[%multiple_of3A_144] : memref<165888xi32, #tpu.memory_space<hbm>> -> memref<144xi32, #tpu.memory_space<hbm>>
          tpu.enqueue_dma source(%dma_start3A_149 : memref<144xi32, #tpu.memory_space<hbm>>) target(%arg7 : memref<144xi32, #tpu.memory_space<vmem>>) target_semaphore(%run_scoped3A : memref<!tpu.dma_semaphore, #tpu.memory_space<semaphore_mem>>)
          %dma_wait3A_150 = tpu.memref_slice %arg3[%multiple_of3A_144] : memref<165888xi32, #tpu.memory_space<hbm>> -> memref<144xi32, #tpu.memory_space<hbm>>
          %dma_wait3A_151 = tpu.memref_slice %arg3[%multiple_of3A_144] : memref<165888xi32, #tpu.memory_space<hbm>> -> memref<144xi32, #tpu.memory_space<hbm>>
          tpu.wait_dma2 semaphore(%run_scoped3A : memref<!tpu.dma_semaphore, #tpu.memory_space<semaphore_mem>>) src(%dma_wait3A_151 : memref<144xi32, #tpu.memory_space<hbm>>) dst(%arg7 : memref<144xi32, #tpu.memory_space<vmem>>)
          tpu.yield
        }) : () -> ()
        %dma_start3A_145 = arith.constant 0 : i32
        %dma_start3A_146 = arith.constant 0 : i32
        %dma_start3A_147 = tpu.memref_slice %arg2[%dma_start3A_145, %dma_start3A_146] : memref<50000x128xf32, #tpu.memory_space<hbm>> -> memref<50000x128xf32, #tpu.memory_space<hbm>>
        tpu.enqueue_indirect_dma source(%dma_start3A_147 : memref<50000x128xf32, #tpu.memory_space<hbm>>) target(%arg11 : memref<144x128xf32, #tpu.memory_space<vmem>>) offsets(%arg7 : memref<144xi32, #tpu.memory_space<vmem>>) semaphore(%arg15 : memref<!tpu.dma_semaphore, #tpu.memory_space<semaphore_mem>>)
      } else {
      }
      %mul3A_111 = arith.constant 4 : i32
      %mul3A_112 = arith.muli %mul3A_111, %scan3A_30 : i32
      %add3A_113 = arith.constant 3 : i32
      %add3A_114 = arith.addi %mul3A_112, %add3A_113 : i32
      %dma_wait3A_115 = arith.constant 0 : i32
      %dma_wait3A_116 = arith.constant 0 : i32
      %dma_wait3A_117 = tpu.memref_slice %arg2[%dma_wait3A_115, %dma_wait3A_116] : memref<50000x128xf32, #tpu.memory_space<hbm>> -> memref<50000x128xf32, #tpu.memory_space<hbm>>
      tpu.wait_indirect_dma semaphore(%arg16 : memref<!tpu.dma_semaphore, #tpu.memory_space<semaphore_mem>>) src(%dma_wait3A_117 : memref<50000x128xf32, #tpu.memory_space<hbm>>) dst(%arg12 : memref<144x128xf32, #tpu.memory_space<vmem>>)
      %mul3A_118 = arith.constant 144 : i32
      %mul3A_119 = arith.muli %add3A_114, %mul3A_118 : i32
      %add3A_120 = arith.addi %mul3A_2, %mul3A_119 : i32
      %multiple_of3A_121 = tpu.assume_multiple %add3A_120, 8 : i32
      %dma_start3A_122 = arith.constant 0 : i32
      %dma_start3A_123 = tpu.memref_slice %arg4[%multiple_of3A_121, %dma_start3A_122] : memref<165888x128xf32, #tpu.memory_space<hbm>> -> memref<144x128xf32, #tpu.memory_space<hbm>>
      %dma_start3A_124 = arith.constant 0 : i32
      %dma_start3A_125 = tpu.memref_slice %arg4[%multiple_of3A_121, %dma_start3A_124] : memref<165888x128xf32, #tpu.memory_space<hbm>> -> memref<144x128xf32, #tpu.memory_space<hbm>>
      tpu.enqueue_dma source(%arg12 : memref<144x128xf32, #tpu.memory_space<vmem>>) target(%dma_start3A_125 : memref<144x128xf32, #tpu.memory_space<hbm>>) target_semaphore(%arg20 : memref<!tpu.dma_semaphore, #tpu.memory_space<semaphore_mem>>)
      %mul3A_126 = arith.constant 144 : i32
      %mul3A_127 = arith.muli %add3A_114, %mul3A_126 : i32
      %add3A_128 = arith.addi %mul3A_2, %mul3A_127 : i32
      %multiple_of3A_129 = tpu.assume_multiple %add3A_128, 8 : i32
      %dma_wait3A_130 = arith.constant 0 : i32
      %dma_wait3A_131 = tpu.memref_slice %arg4[%multiple_of3A_129, %dma_wait3A_130] : memref<165888x128xf32, #tpu.memory_space<hbm>> -> memref<144x128xf32, #tpu.memory_space<hbm>>
      %dma_wait3A_132 = arith.constant 0 : i32
      %dma_wait3A_133 = tpu.memref_slice %arg4[%multiple_of3A_129, %dma_wait3A_132] : memref<165888x128xf32, #tpu.memory_space<hbm>> -> memref<144x128xf32, #tpu.memory_space<hbm>>
      tpu.wait_dma2 semaphore(%arg20 : memref<!tpu.dma_semaphore, #tpu.memory_space<semaphore_mem>>) src(%arg12 : memref<144x128xf32, #tpu.memory_space<vmem>>) dst(%dma_wait3A_133 : memref<144x128xf32, #tpu.memory_space<hbm>>)
      %lt3A_134 = arith.constant 8 : i32
      %lt3A_135 = arith.cmpi slt, %scan3A_30, %lt3A_134 : i32
      %convert_element_type3A_136 = arith.extui %lt3A_135 : i1 to i32
      %cond3A_137 = arith.constant 0 : i32
      %cond3A_138 = arith.cmpi ne, %convert_element_type3A_136, %cond3A_137 : i32
      scf.if %cond3A_138 {
        %add3A_139 = arith.constant 4 : i32
        %add3A_140 = arith.addi %add3A_114, %add3A_139 : i32
        %mul3A_141 = arith.constant 144 : i32
        %mul3A_142 = arith.muli %add3A_140, %mul3A_141 : i32
        %add3A_143 = arith.addi %mul3A_2, %mul3A_142 : i32
        %multiple_of3A_144 = tpu.assume_multiple %add3A_143, 8 : i32
        "tpu.region"() ({
          %run_scoped3A = tpu.sem_alloc : memref<!tpu.dma_semaphore, #tpu.memory_space<semaphore_mem>>
          %dma_start3A_148 = tpu.memref_slice %arg3[%multiple_of3A_144] : memref<165888xi32, #tpu.memory_space<hbm>> -> memref<144xi32, #tpu.memory_space<hbm>>
          %dma_start3A_149 = tpu.memref_slice %arg3[%multiple_of3A_144] : memref<165888xi32, #tpu.memory_space<hbm>> -> memref<144xi32, #tpu.memory_space<hbm>>
          tpu.enqueue_dma source(%dma_start3A_149 : memref<144xi32, #tpu.memory_space<hbm>>) target(%arg8 : memref<144xi32, #tpu.memory_space<vmem>>) target_semaphore(%run_scoped3A : memref<!tpu.dma_semaphore, #tpu.memory_space<semaphore_mem>>)
          %dma_wait3A_150 = tpu.memref_slice %arg3[%multiple_of3A_144] : memref<165888xi32, #tpu.memory_space<hbm>> -> memref<144xi32, #tpu.memory_space<hbm>>
          %dma_wait3A_151 = tpu.memref_slice %arg3[%multiple_of3A_144] : memref<165888xi32, #tpu.memory_space<hbm>> -> memref<144xi32, #tpu.memory_space<hbm>>
          tpu.wait_dma2 semaphore(%run_scoped3A : memref<!tpu.dma_semaphore, #tpu.memory_space<semaphore_mem>>) src(%dma_wait3A_151 : memref<144xi32, #tpu.memory_space<hbm>>) dst(%arg8 : memref<144xi32, #tpu.memory_space<vmem>>)
          tpu.yield
        }) : () -> ()
        %dma_start3A_145 = arith.constant 0 : i32
        %dma_start3A_146 = arith.constant 0 : i32
        %dma_start3A_147 = tpu.memref_slice %arg2[%dma_start3A_145, %dma_start3A_146] : memref<50000x128xf32, #tpu.memory_space<hbm>> -> memref<50000x128xf32, #tpu.memory_space<hbm>>
        tpu.enqueue_indirect_dma source(%dma_start3A_147 : memref<50000x128xf32, #tpu.memory_space<hbm>>) target(%arg12 : memref<144x128xf32, #tpu.memory_space<vmem>>) offsets(%arg8 : memref<144xi32, #tpu.memory_space<vmem>>) semaphore(%arg16 : memref<!tpu.dma_semaphore, #tpu.memory_space<semaphore_mem>>)
      } else {
      }
    }
    %scan3A_29 = arith.constant 9 : i32
    return
  }
}

module attributes {stable_mosaic.version = 14 : i64} {
  func.func @_tc_body(%arg0: i32, %arg1: i32, %arg2: memref<1000x128xf32, #tpu.memory_space<vmem>>, %arg3: memref<1000x128xf32, #tpu.memory_space<vmem>>, %arg4: memref<1000x128xf32, #tpu.memory_space<vmem>>, %arg5: memref<256x256xbf16, #tpu.memory_space<vmem>>, %arg6: memref<128x128xbf16, #tpu.memory_space<vmem>>, %arg7: memref<256x256xbf16, #tpu.memory_space<vmem>>, %arg8: memref<1x128xf32, #tpu.memory_space<vmem>>, %arg9: memref<1x256xf32, #tpu.memory_space<vmem>>, %arg10: memref<1x256xf32, #tpu.memory_space<vmem>>, %arg11: memref<1000x128xf32, #tpu.memory_space<vmem>>, %arg12: memref<1000x128xf32, #tpu.memory_space<vmem>>, %arg13: memref<1000x128xf32, #tpu.memory_space<vmem>>, %arg14: memref<1000x1xf32, #tpu.memory_space<vmem>>) attributes {dimension_semantics = [#tpu.dimension_semantics<arbitrary>, #tpu.dimension_semantics<arbitrary>], iteration_bounds = array<i64: 5, 16>, scalar_prefetch = 0 : i64, scratch_operands = 3 : i64, tpu.core_type = #tpu.core_type<tc>, window_params = [{transform_indices = @transform_0, window_bounds = array<i64: 1000, 128>}, {transform_indices = @transform_1, window_bounds = array<i64: 1000, 128>}, {transform_indices = @transform_2, window_bounds = array<i64: 1000, 128>}, {pipeline_mode = #tpu.pipeline_mode<synchronous>, transform_indices = @transform_3, window_bounds = array<i64: 256, 256>}, {pipeline_mode = #tpu.pipeline_mode<synchronous>, transform_indices = @transform_4, window_bounds = array<i64: 128, 128>}, {pipeline_mode = #tpu.pipeline_mode<synchronous>, transform_indices = @transform_5, window_bounds = array<i64: 256, 256>}, {pipeline_mode = #tpu.pipeline_mode<synchronous>, transform_indices = @transform_6, window_bounds = array<i64: 1, 128>}, {pipeline_mode = #tpu.pipeline_mode<synchronous>, transform_indices = @transform_7, window_bounds = array<i64: 1, 256>}, {pipeline_mode = #tpu.pipeline_mode<synchronous>, transform_indices = @transform_8, window_bounds = array<i64: 1, 256>}, {transform_indices = @transform_9, window_bounds = array<i64: 1000, 128>}]} {
    %get3A = arith.constant 0 : index
    %get3A_0 = arith.constant 0 : index
    %get3A_1 = vector.load %arg2[%get3A, %get3A_0] : memref<1000x128xf32, #tpu.memory_space<vmem>>, vector<1000x128xf32>
    %get3A_2 = arith.constant 0 : index
    %get3A_3 = arith.constant 0 : index
    %get3A_4 = vector.load %arg3[%get3A_2, %get3A_3] : memref<1000x128xf32, #tpu.memory_space<vmem>>, vector<1000x128xf32>
    %eq3A = arith.constant 0 : i32
    %eq3A_5 = arith.cmpi eq, %arg1, %eq3A : i32
    %convert_element_type3A = arith.extui %eq3A_5 : i1 to i32
    %cond3A = arith.constant 0 : i32
    %cond3A_6 = arith.cmpi ne, %convert_element_type3A, %cond3A : i32
    scf.if %cond3A_6 {
      %get3A_63 = arith.constant 0 : index
      %get3A_64 = arith.constant 0 : index
      %get3A_65 = vector.load %arg4[%get3A_63, %get3A_64] : memref<1000x128xf32, #tpu.memory_space<vmem>>, vector<1000x128xf32>
      %convert_element_type3A_66 = arith.truncf %get3A_65 : vector<1000x128xf32> to vector<1000x128xbf16>
      %get3A_67 = arith.constant 0 : index
      %get3A_68 = arith.constant 0 : index
      %get3A_69 = vector.load %arg6[%get3A_67, %get3A_68] : memref<128x128xbf16, #tpu.memory_space<vmem>>, vector<128x128xbf16>
      %dot_general3A_70 = arith.constant dense<0.000000e+00> : vector<1000x128xf32>
      %dot_general3A_71 = tpu.matmul %convert_element_type3A_66, %get3A_69, %dot_general3A_70 {dimension_numbers = #tpu.dot_dimension_numbers<[1], [0], [0], [1], [0, 0, 1, 1], [], []>, transpose_lhs_hint = false} : vector<1000x128xbf16>, vector<128x128xbf16>, vector<1000x128xf32> -> vector<1000x128xf32>
      %swap3A = arith.constant 0 : index
      %swap3A_72 = arith.constant 0 : index
      %swap3A_73 = vector.load %arg12[%swap3A, %swap3A_72] : memref<1000x128xf32, #tpu.memory_space<vmem>>, vector<1000x128xf32>
      tpu.vector_store %arg12[%swap3A, %swap3A_72], %dot_general3A_71 {strides = array<i32>} : memref<1000x128xf32, #tpu.memory_space<vmem>>, vector<1000x128xf32>,
    } else {
    }
    %get3A_7 = arith.constant 0 : index
    %get3A_8 = arith.constant 0 : index
    %get3A_9 = vector.load %arg12[%get3A_7, %get3A_8] : memref<1000x128xf32, #tpu.memory_space<vmem>>, vector<1000x128xf32>
    %concatenate3A = tpu.concatenate %get3A_1, %get3A_4 in 1 : vector<1000x128xf32>, vector<1000x128xf32> -> vector<1000x256xf32>
    %convert_element_type3A_10 = arith.truncf %concatenate3A : vector<1000x256xf32> to vector<1000x256xbf16>
    %get3A_11 = arith.constant 0 : index
    %get3A_12 = arith.constant 0 : index
    %get3A_13 = vector.load %arg5[%get3A_11, %get3A_12] : memref<256x256xbf16, #tpu.memory_space<vmem>>, vector<256x256xbf16>
    %dot_general3A = arith.constant dense<0.000000e+00> : vector<1000x256xf32>
    %dot_general3A_14 = tpu.matmul %convert_element_type3A_10, %get3A_13, %dot_general3A {dimension_numbers = #tpu.dot_dimension_numbers<[1], [0], [0], [1], [0, 0, 1, 1], [], []>, transpose_lhs_hint = false} : vector<1000x256xbf16>, vector<256x256xbf16>, vector<1000x256xf32> -> vector<1000x256xf32>
    %concatenate3A_15 = tpu.concatenate %get3A_9, %get3A_9 in 1 : vector<1000x128xf32>, vector<1000x128xf32> -> vector<1000x256xf32>
    %add3A = arith.addf %dot_general3A_14, %concatenate3A_15 : vector<1000x256xf32>
    %get3A_16 = arith.constant 0 : index
    %get3A_17 = arith.constant 0 : index
    %get3A_18 = vector.load %arg9[%get3A_16, %get3A_17] : memref<1x256xf32, #tpu.memory_space<vmem>>, vector<1x256xf32>
    %add3A_19 = vector.broadcast %get3A_18 : vector<1x256xf32> to vector<1000x256xf32>
    %add3A_20 = arith.addf %add3A, %add3A_19 : vector<1000x256xf32>
    %max3A = arith.constant 0.000000e+00 : f32
    %max3A_21 = vector.broadcast %max3A : f32 to vector<1000x256xf32>
    %max3A_22 = arith.maximumf %add3A_20, %max3A_21 : vector<1000x256xf32>
    %convert_element_type3A_23 = arith.truncf %max3A_22 : vector<1000x256xf32> to vector<1000x256xbf16>
    %get3A_24 = arith.constant 0 : index
    %get3A_25 = arith.constant 0 : index
    %get3A_26 = vector.load %arg7[%get3A_24, %get3A_25] : memref<256x256xbf16, #tpu.memory_space<vmem>>, vector<256x256xbf16>
    %dot_general3A_27 = arith.constant dense<0.000000e+00> : vector<1000x256xf32>
    %dot_general3A_28 = tpu.matmul %convert_element_type3A_23, %get3A_26, %dot_general3A_27 {dimension_numbers = #tpu.dot_dimension_numbers<[1], [0], [0], [1], [0, 0, 1, 1], [], []>, transpose_lhs_hint = false} : vector<1000x256xbf16>, vector<256x256xbf16>, vector<1000x256xf32> -> vector<1000x256xf32>
    %get3A_29 = arith.constant 0 : index
    %get3A_30 = arith.constant 0 : index
    %get3A_31 = vector.load %arg10[%get3A_29, %get3A_30] : memref<1x256xf32, #tpu.memory_space<vmem>>, vector<1x256xf32>
    %add3A_32 = vector.broadcast %get3A_31 : vector<1x256xf32> to vector<1000x256xf32>
    %add3A_33 = arith.addf %dot_general3A_28, %add3A_32 : vector<1000x256xf32>
    %max3A_34 = arith.constant 0.000000e+00 : f32
    %max3A_35 = vector.broadcast %max3A_34 : f32 to vector<1000x256xf32>
    %max3A_36 = arith.maximumf %add3A_33, %max3A_35 : vector<1000x256xf32>
    %get3A_37 = arith.constant 0 : index
    %get3A_38 = arith.constant 0 : index
    %get3A_39 = vector.load %arg8[%get3A_37, %get3A_38] : memref<1x128xf32, #tpu.memory_space<vmem>>, vector<1x128xf32>
    %slice3A = vector.extract_strided_slice %max3A_36 {offsets = [0, 0], sizes = [1000, 128], strides = [1, 1]} : vector<1000x256xf32> to vector<1000x128xf32>
    %mul3A = vector.broadcast %get3A_39 : vector<1x128xf32> to vector<1000x128xf32>
    %mul3A_40 = arith.mulf %slice3A, %mul3A : vector<1000x128xf32>
    %reduce_sum3A = arith.constant dense<0.000000e+00> : vector<1000xf32>
    %reduce_sum3A_41 = vector.multi_reduction <add>, %mul3A_40, %reduce_sum3A [1] : vector<1000x128xf32> to vector<1000xf32>
    %broadcast_in_dim3A = vector.shape_cast %reduce_sum3A_41 : vector<1000xf32> to vector<1000x1xf32>
    %slice3A_42 = vector.extract_strided_slice %max3A_36 {offsets = [0, 128], sizes = [1000, 128], strides = [1, 1]} : vector<1000x256xf32> to vector<1000x128xf32>
    %mul3A_43 = vector.broadcast %get3A_39 : vector<1x128xf32> to vector<1000x128xf32>
    %mul3A_44 = arith.mulf %slice3A_42, %mul3A_43 : vector<1000x128xf32>
    %reduce_sum3A_45 = arith.constant dense<0.000000e+00> : vector<1000xf32>
    %reduce_sum3A_46 = vector.multi_reduction <add>, %mul3A_44, %reduce_sum3A_45 [1] : vector<1000x128xf32> to vector<1000xf32>
    %broadcast_in_dim3A_47 = vector.shape_cast %reduce_sum3A_46 : vector<1000xf32> to vector<1000x1xf32>
    %exp3A = math.exp %broadcast_in_dim3A : vector<1000x1xf32>
    %exp3A_48 = math.exp %broadcast_in_dim3A_47 : vector<1000x1xf32>
    %eq3A_49 = arith.constant 0 : i32
    %eq3A_50 = arith.cmpi eq, %arg1, %eq3A_49 : i32
    %convert_element_type3A_51 = arith.extui %eq3A_50 : i1 to i32
    %cond3A_52 = arith.constant 0 : i32
    %cond3A_53 = arith.cmpi ne, %convert_element_type3A_51, %cond3A_52 : i32
    scf.if %cond3A_53 {
      %add3A_63 = arith.addf %exp3A, %exp3A_48 : vector<1000x1xf32>
      %swap3A = arith.constant 0 : index
      %swap3A_64 = arith.constant 0 : index
      %swap3A_65 = vector.load %arg14[%swap3A, %swap3A_64] : memref<1000x1xf32, #tpu.memory_space<vmem>>, vector<1000x1xf32>
      tpu.vector_store %arg14[%swap3A, %swap3A_64], %add3A_63 {strides = array<i32>} : memref<1000x1xf32, #tpu.memory_space<vmem>>, vector<1000x1xf32>,
      %mul3A_66 = vector.broadcast %exp3A : vector<1000x1xf32> to vector<1000x128xf32>
      %mul3A_67 = arith.mulf %mul3A_66, %get3A_1 : vector<1000x128xf32>
      %mul3A_68 = vector.broadcast %exp3A_48 : vector<1000x1xf32> to vector<1000x128xf32>
      %mul3A_69 = arith.mulf %mul3A_68, %get3A_4 : vector<1000x128xf32>
      %add3A_70 = arith.addf %mul3A_67, %mul3A_69 : vector<1000x128xf32>
      %swap3A_71 = arith.constant 0 : index
      %swap3A_72 = arith.constant 0 : index
      %swap3A_73 = vector.load %arg13[%swap3A_71, %swap3A_72] : memref<1000x128xf32, #tpu.memory_space<vmem>>, vector<1000x128xf32>
      tpu.vector_store %arg13[%swap3A_71, %swap3A_72], %add3A_70 {strides = array<i32>} : memref<1000x128xf32, #tpu.memory_space<vmem>>, vector<1000x128xf32>,
    } else {
    }
    %gt3A = arith.constant 0 : i32
    %gt3A_54 = arith.cmpi sgt, %arg1, %gt3A : i32
    %convert_element_type3A_55 = arith.extui %gt3A_54 : i1 to i32
    %cond3A_56 = arith.constant 0 : i32
    %cond3A_57 = arith.cmpi ne, %convert_element_type3A_55, %cond3A_56 : i32
    scf.if %cond3A_57 {
      %get3A_63 = arith.constant 0 : index
      %get3A_64 = arith.constant 0 : index
      %get3A_65 = vector.load %arg14[%get3A_63, %get3A_64] : memref<1000x1xf32, #tpu.memory_space<vmem>>, vector<1000x1xf32>
      %add3A_66 = arith.addf %get3A_65, %exp3A : vector<1000x1xf32>
      %add3A_67 = arith.addf %add3A_66, %exp3A_48 : vector<1000x1xf32>
      %swap3A = arith.constant 0 : index
      %swap3A_68 = arith.constant 0 : index
      %swap3A_69 = vector.load %arg14[%swap3A, %swap3A_68] : memref<1000x1xf32, #tpu.memory_space<vmem>>, vector<1000x1xf32>
      tpu.vector_store %arg14[%swap3A, %swap3A_68], %add3A_67 {strides = array<i32>} : memref<1000x1xf32, #tpu.memory_space<vmem>>, vector<1000x1xf32>,
      %get3A_70 = arith.constant 0 : index
      %get3A_71 = arith.constant 0 : index
      %get3A_72 = vector.load %arg13[%get3A_70, %get3A_71] : memref<1000x128xf32, #tpu.memory_space<vmem>>, vector<1000x128xf32>
      %mul3A_73 = vector.broadcast %exp3A : vector<1000x1xf32> to vector<1000x128xf32>
      %mul3A_74 = arith.mulf %mul3A_73, %get3A_1 : vector<1000x128xf32>
      %add3A_75 = arith.addf %get3A_72, %mul3A_74 : vector<1000x128xf32>
      %mul3A_76 = vector.broadcast %exp3A_48 : vector<1000x1xf32> to vector<1000x128xf32>
      %mul3A_77 = arith.mulf %mul3A_76, %get3A_4 : vector<1000x128xf32>
      %add3A_78 = arith.addf %add3A_75, %mul3A_77 : vector<1000x128xf32>
      %swap3A_79 = arith.constant 0 : index
      %swap3A_80 = arith.constant 0 : index
      %swap3A_81 = vector.load %arg13[%swap3A_79, %swap3A_80] : memref<1000x128xf32, #tpu.memory_space<vmem>>, vector<1000x128xf32>
      tpu.vector_store %arg13[%swap3A_79, %swap3A_80], %add3A_78 {strides = array<i32>} : memref<1000x128xf32, #tpu.memory_space<vmem>>, vector<1000x128xf32>,
    } else {
    }
    %eq3A_58 = arith.constant 15 : i32
    %eq3A_59 = arith.cmpi eq, %arg1, %eq3A_58 : i32
    %convert_element_type3A_60 = arith.extui %eq3A_59 : i1 to i32
    %cond3A_61 = arith.constant 0 : i32
    %cond3A_62 = arith.cmpi ne, %convert_element_type3A_60, %cond3A_61 : i32
    scf.if %cond3A_62 {
      %get3A_63 = arith.constant 0 : index
      %get3A_64 = arith.constant 0 : index
      %get3A_65 = vector.load %arg13[%get3A_63, %get3A_64] : memref<1000x128xf32, #tpu.memory_space<vmem>>, vector<1000x128xf32>
      %get3A_66 = arith.constant 0 : index
      %get3A_67 = arith.constant 0 : index
      %get3A_68 = vector.load %arg14[%get3A_66, %get3A_67] : memref<1000x1xf32, #tpu.memory_space<vmem>>, vector<1000x1xf32>
      %div3A = vector.broadcast %get3A_68 : vector<1000x1xf32> to vector<1000x128xf32>
      %div3A_69 = arith.divf %get3A_65, %div3A : vector<1000x128xf32>
      %swap3A = arith.constant 0 : index
      %swap3A_70 = arith.constant 0 : index
      %swap3A_71 = vector.load %arg11[%swap3A, %swap3A_70] : memref<1000x128xf32, #tpu.memory_space<vmem>>, vector<1000x128xf32>
      tpu.vector_store %arg11[%swap3A, %swap3A_70], %div3A_69 {strides = array<i32>} : memref<1000x128xf32, #tpu.memory_space<vmem>>, vector<1000x128xf32>,
    } else {
    }
    return
  }
  func.func @transform_0(%arg0: i32, %arg1: i32) -> (i32, i32) {
    %mul3A = arith.constant 2 : i32
    %mul3A_0 = arith.muli %mul3A, %arg1 : i32
    %mul3A_1 = arith.constant 5 : i32
    %mul3A_2 = arith.muli %mul3A_0, %mul3A_1 : i32
    %add3A = arith.addi %mul3A_2, %arg0 : i32
    %c0_i32 = arith.constant 0 : i32
    %c0_i32_3 = arith.constant 0 : i32
    return %add3A, %c0_i32 : i32, i32
  }
  func.func @transform_1(%arg0: i32, %arg1: i32) -> (i32, i32) {
    %mul3A = arith.constant 2 : i32
    %mul3A_0 = arith.muli %mul3A, %arg1 : i32
    %add3A = arith.constant 1 : i32
    %add3A_1 = arith.addi %mul3A_0, %add3A : i32
    %mul3A_2 = arith.constant 5 : i32
    %mul3A_3 = arith.muli %add3A_1, %mul3A_2 : i32
    %add3A_4 = arith.addi %mul3A_3, %arg0 : i32
    %c0_i32 = arith.constant 0 : i32
    %c0_i32_5 = arith.constant 0 : i32
    return %add3A_4, %c0_i32 : i32, i32
  }
  func.func @transform_2(%arg0: i32, %arg1: i32) -> (i32, i32) {
    %add3A = arith.constant 160 : i32
    %add3A_0 = arith.addi %add3A, %arg0 : i32
    %c0_i32 = arith.constant 0 : i32
    %c0_i32_1 = arith.constant 0 : i32
    return %add3A_0, %c0_i32 : i32, i32
  }
  func.func @transform_3(%arg0: i32, %arg1: i32) -> (i32, i32) {
    %c0_i32 = arith.constant 0 : i32
    %c0_i32_0 = arith.constant 0 : i32
    %c0_i32_1 = arith.constant 0 : i32
    return %c0_i32, %c0_i32_0 : i32, i32
  }
  func.func @transform_4(%arg0: i32, %arg1: i32) -> (i32, i32) {
    %c0_i32 = arith.constant 0 : i32
    %c0_i32_0 = arith.constant 0 : i32
    %c0_i32_1 = arith.constant 0 : i32
    return %c0_i32, %c0_i32_0 : i32, i32
  }
  func.func @transform_5(%arg0: i32, %arg1: i32) -> (i32, i32) {
    %c0_i32 = arith.constant 0 : i32
    %c0_i32_0 = arith.constant 0 : i32
    %c0_i32_1 = arith.constant 0 : i32
    return %c0_i32, %c0_i32_0 : i32, i32
  }
  func.func @transform_6(%arg0: i32, %arg1: i32) -> (i32, i32) {
    %c0_i32 = arith.constant 0 : i32
    %c0_i32_0 = arith.constant 0 : i32
    %c0_i32_1 = arith.constant 0 : i32
    return %c0_i32, %c0_i32_0 : i32, i32
  }
  func.func @transform_7(%arg0: i32, %arg1: i32) -> (i32, i32) {
    %c0_i32 = arith.constant 0 : i32
    %c0_i32_0 = arith.constant 0 : i32
    %c0_i32_1 = arith.constant 0 : i32
    return %c0_i32, %c0_i32_0 : i32, i32
  }
  func.func @transform_8(%arg0: i32, %arg1: i32) -> (i32, i32) {
    %c0_i32 = arith.constant 0 : i32
    %c0_i32_0 = arith.constant 0 : i32
    %c0_i32_1 = arith.constant 0 : i32
    return %c0_i32, %c0_i32_0 : i32, i32
  }
  func.func @transform_9(%arg0: i32, %arg1: i32) -> (i32, i32) {
    %c0_i32 = arith.constant 0 : i32
    %c0_i32_0 = arith.constant 0 : i32
    return %arg0, %c0_i32 : i32, i32
  }
}

</mosaic_0001>

<sc_bundles>
// kernel: kernel.6.cloned.1.call-start
scs
__scs_entry_jumppad:
0x0: {  	(pc) =	sbr.rel $0x88, $3  }
0x1: {  	(tag) =	ssettag $0x0;
	lr =	simm.s32 $0x1  }
0x2: {  	[smem:$0x3F99] =	sst lr;
	_ =	strace $0xD0000000  }
0x3: {  	_ = 	snop  }
0x4: {  	_ = 	snop  }
0x5: {  	_ = 	snop  }
0x6: {  	_ = 	snop  }
0x7: {  	_ = 	snop  }
__scs_overlays_trampoline_lowered:
0x8: {  	[smem:$0x3FA8] =	sst s0  }
0x9: {  	[smem:$0x3FA9] =	sst s1  }
0xa: {  	[smem:$0x3FAA] =	sst s2  }
0xb: {  	[smem:$0x3FAB] =	sst s3  }
0xc: {  	[smem:$0x3FAC] =	sst s4  }
0xd: {  	[smem:$0x3FAD] =	sst s5  }
0xe: {  	[smem:$0x3FAE] =	sst s6  }
0xf: {  	[smem:$0x3FAF] =	sst s7  }
0x10: {  	[smem:$0x3FB0] =	sst s8  }
0x11: {  	[smem:$0x3FB1] =	sst s9;
	s0 =	simm.s32 @!p0 $0x0  }
0x12: {  	s1 =	sld [smem:$0x3F97];
	s0 =	simm.s32 @p0 $0x1  }
0x13: {  	[smem:$0x3FB2] =	sst s0;
	s0 =	simm.s32 @!p1 $0x0  }
0x14: {  	s2 =	sld [smem:$0x3F96];
	s0 =	simm.s32 @p1 $0x1  }
0x15: {  	[smem:$0x3FB3] =	sst s0;
	s0 =	simm.s32 @!p2 $0x0  }
0x16: {  	s3 =	sld [smem:$0x3FDB];
	s0 =	simm.s32 @p2 $0x1  }
0x17: {  	s4 =	simm.s32 $0x1BF5;
	[smem:$0x3FB5] =	sst s0  }
0x18: {  	s0 =	sld [smem:$0x3F98];
	_ =	swait.ge [sflag:s4], $0x0  }
0x19: {  	s7 =	sld [smem:$0x3F99]  }
0x1a: {  	s8 =	sadd.s32 $0xFFFFE003, lr  }
0x1b: {  	s9 =	sadd.s32 $0xFFFFFEF7, lr;
	s5 =	simm.s32 $0xFFFFFFFF;
	p2 =	slt.u32 s8, $0xFFFFF086  }
0x1c: {  	p1 =	slt.u32 s9, $0xF7A;
	s5 =	simm.s32 @!p2 $0x0  }
0x1d: {  	s5 =	simm.s32 @p1 $0x1;
	p0 =	seq.s32 s7, s2  }
0x1e: {  	s7 =	smul.u32 @!p0 $0xF7A, s2;
	p2 =	seq.s32 @!p0 s5, $0x0  }
0x1f: {  	s9 =	smul.u32 $0xF7A, s1;
	s8 =	simm.s32 @!p0 $0x1BF5;
	p2 =	por !p2, p0  }
0x20: {  	[sflag:s8] =	ssyncset.s32 @!p0 $0xFFFFF086;
	s6 =	sadd.s32 @!p0 s3, s7;
	s7 =	simm.s32 @!p0 $0x108  }
0x21: {  	s3 =	sadd.s32 s3, s9;
	s6 =	sadd.s32 @!p0 $0x88, s6;
	s7 =	simm.s32 @p2 $0x1082  }
0x22: {  	[simem:s7], [sflag:s8] =	dma.local @!p0 [hbm:s6], $0xF7A  }
0x23: {  	s9 =	sor.u32 $0xD0000000, s2;
	s6 =	simm.s32 $0x108;
	_ =	swait.ge @!p0 [sflag:s8], $0x0  }
0x24: {  	s3 =	sadd.s32 $0x88, s3;
	s6 =	simm.s32 @!p1 $0x1082;
	[sflag:s4] =	ssyncset.s32 $0xFFFFF086  }
0x25: {  	[simem:s6], [sflag:s4] =	dma.local [hbm:s3], $0xF7A  }
0x26: {  	[smem:$0x3F99] =	sst s1;
	(tag) =	ssettag s2;
	_ =	strace s9  }
0x27: {  	s1 =	sld [smem:$0x3FA9]  }
0x28: {  	s2 =	sld [smem:$0x3FAA]  }
0x29: {  	s4 =	sld [smem:$0x3FAC]  }
0x2a: {  	p0 =	seq.s32 s5, $0x0;
	s5 =	sld [smem:$0x3FAD]  }
0x2b: {  	s6 =	sld [smem:$0x3FAE]  }
0x2c: {  	s7 =	sld [smem:$0x3FAF]  }
0x2d: {  	s3 =	simm.s32 $0x108;
	s8 =	sld [smem:$0x3FB0]  }
0x2e: {  	s3 =	simm.s32 @!p0 $0x1082;
	s9 =	sld [smem:$0x3FB1]  }
0x2f: {  	lr =	sadd.s32 s0, s3;
	s0 =	sld [smem:$0x3FA8]  }
0x30: {  	s3 =	sld [smem:$0x3FAB]  }
0x31: {  	[smem:$0x3FB4] =	sst s10  }
0x32: {  	s10 =	sld [smem:$0x3FB2];
	_ =	sdelay $0x3  }
0x33: {  	p0 =	seq.s32 s10, $0x1;
	s10 =	sld [smem:$0x3FB4];
	_ =	sdelay $0x3  }
0x34: {  	[smem:$0x3FB4] =	sst s10  }
0x35: {  	s10 =	sld [smem:$0x3FB3];
	_ =	sdelay $0x3  }
0x36: {  	p1 =	seq.s32 s10, $0x1;
	s10 =	sld [smem:$0x3FB4];
	_ =	sdelay $0x3  }
0x37: {  	[smem:$0x3FB4] =	sst s10  }
0x38: {  	s10 =	sld [smem:$0x3FB5]  }
0x39: {  	_ = 	snop;
	(pc) =	sbr.ind lr, $3  }
0x3a: {  	_ = 	snop  }
0x3b: {  	_ = 	snop  }
0x3c: {  	p2 =	seq.s32 s10, $0x1;
	s10 =	sld [smem:$0x3FB4]  }
0x3d: {  	_ =	shalt  }
0x3e: {  	_ =	shalt  }
0x3f: {  	_ =	shalt  }
0x40: {  	_ =	shalt  }
0x41: {  	_ =	shalt  }
0x42: {  	_ =	shalt  }
0x43: {  	_ =	shalt  }
0x44: {  	_ =	shalt  }
0x45: {  	_ =	shalt  }
0x46: {  	_ =	shalt  }
0x47: {  	_ =	shalt  }
0x48: {  	_ =	shalt  }
0x49: {  	_ =	shalt  }
0x4a: {  	_ =	shalt  }
0x4b: {  	_ =	shalt  }
0x4c: {  	_ =	shalt  }
0x4d: {  	_ =	shalt  }
0x4e: {  	_ =	shalt  }
0x4f: {  	_ =	shalt  }
0x50: {  	_ =	shalt  }
0x51: {  	_ =	shalt  }
0x52: {  	_ =	shalt  }
0x53: {  	_ =	shalt  }
0x54: {  	_ =	shalt  }
0x55: {  	_ =	shalt  }
0x56: {  	_ =	shalt  }
0x57: {  	_ =	shalt  }
0x58: {  	_ =	shalt  }
0x59: {  	_ =	shalt  }
0x5a: {  	_ =	shalt  }
0x5b: {  	_ =	shalt  }
0x5c: {  	_ =	shalt  }
0x5d: {  	_ =	shalt  }
0x5e: {  	_ =	shalt  }
0x5f: {  	_ =	shalt  }
0x60: {  	_ =	shalt  }
0x61: {  	_ =	shalt  }
0x62: {  	_ =	shalt  }
0x63: {  	_ =	shalt  }
0x64: {  	_ =	shalt  }
0x65: {  	_ =	shalt  }
0x66: {  	_ =	shalt  }
0x67: {  	_ =	shalt  }
0x68: {  	_ =	shalt  }
0x69: {  	_ =	shalt  }
0x6a: {  	_ =	shalt  }
0x6b: {  	_ =	shalt  }
0x6c: {  	_ =	shalt  }
0x6d: {  	_ =	shalt  }
0x6e: {  	_ =	shalt  }
0x6f: {  	_ =	shalt  }
0x70: {  	_ =	shalt  }
0x71: {  	_ =	shalt  }
0x72: {  	_ =	shalt  }
0x73: {  	_ =	shalt  }
0x74: {  	_ =	shalt  }
0x75: {  	_ =	shalt  }
0x76: {  	_ =	shalt  }
0x77: {  	_ =	shalt  }
0x78: {  	_ =	shalt  }
0x79: {  	_ =	shalt  }
0x7a: {  	_ =	shalt  }
0x7b: {  	_ =	shalt  }
0x7c: {  	_ =	shalt  }
0x7d: {  	_ =	shalt  }
0x7e: {  	_ =	shalt  }
0x7f: {  	_ =	shalt  }
0x80: {  	_ =	shalt  }
0x81: {  	_ =	shalt  }
0x82: {  	_ =	shalt  }
0x83: {  	_ =	shalt  }
0x84: {  	_ =	shalt  }
0x85: {  	_ =	shalt  }
0x86: {  	_ =	shalt  }
0x87: {  	_ =	shalt  }
.Lfunc_end0:
.L_simem_size_0:
called_computation_lowered:
.L_overlay_start_0:
0x88: {  	s2 =	sld [smem:$0x3FD9]  }
0x89: {  	s3 =	sld [smem:$0x3FFE];
	_ =	sdelay $0x1  }
0x8a: {  	s1 =	srdreg.scid  }
0x8b: {  	s0 =	sand.u32 $0x1, s1  }
0x8c: {  	s17 =	sshll.u32 s0, $0xA;
	s2 =	sadd.s32 s3, s2  }
0x8d: {  	s2 =	sadd.s32 s2, s17  }
0x8e: {  	[smem:$0x3FC0] =	sst s2  }
0x8f: {  	_ = 	snop  }
0x90: {  	s18 =	sld [smem:$0x3FC7];
	(tm) =	ssettm $0x1  }
0x91: {  	s19 =	sld [smem:$0x3FFB];
	_ =	sdelay $0x3  }
0x92: {  	_ =	strace s19  }
0x93: {  	s2 =	sld [smem:$0x3FFC];
	_ =	sdelay $0x3  }
0x94: {  	_ =	strace s2  }
0x95: {  	s2 =	sld [smem:$0x3FFD];
	_ =	sdelay $0x3  }
0x96: {  	_ =	strace s2  }
0x97: {  	_ =	strace $0x8FFFFFFF  }
0x98: {  	s20 =	sld [smem:$0x3FDB];
	_ =	sdelay $0x1  }
0x99: {  	s4 =	simm.s32 $_scs_section_size  }
0x9a: {  	s5 =	simm.s32 $_size__tile_overlayer_lowered;
	s6 =	simm.s32 $_tile_overlayer_lowered  }
0x9b: {  	s7 =	simm.s32 $0x1BFF;
	s21 =	sshll.u32 s6, $0x1;
	s4 =	sadd.s32 s4, s20  }
0x9c: {  	s22 =	simm.s32 $0x0;
	s5 =	sshll.u32 s5, $0x1;
	s6 =	sadd.s32 s21, s4  }
0x9d: {  	[timem:s22], [sflag:s7] =	dma.local [hbm:s6], s5  }
0x9e: {  	_ =	swait.ge [sflag:s7], s5  }
0x9f: {  	s5 =	ssub.s32 $0x0, s5;
	[sflag:s7] =	ssyncset.done $0x0  }
0xa0: {  	[sflag:s7] =	ssyncadd.s32 s5;
	_ =	sdelay $0x1  }
0xa1: {  	s23 =	simm.s32 $0x1B8B  }
0xa2: {  	_ =	swait.ge [sflag:s23], $0x1  }
0xa3: {  	[sflag:s23] =	ssyncset.done $0x0  }
0xa4: {  	[sflag:s23] =	ssyncadd.s32 $0xFFFFFFFF  }
0xa5: {  	s5 =	sld [smem:$0x0]  }
0xa6: {  	s6 =	sand.u32 $0xFFFFFFFE, s1  }
0xa7: {  	p0 =	sne.s32 s1, s6  }
0xa8: {  	s6 =	sshll.u32 @p0 s6, $0xE  }
0xa9: {  	s6 =	sadd.s32 @p0 $0x11B8D, s6;
	s7 =	sshll.u32 @p0 s5, $0x11  }
0xaa: {  	s6 =	sor.u32 @p0 s7, s6  }
0xab: {  	[sflag:s6] =	ssyncadd.remote.s32 @p0 $0x1;
	_ =	sdelay $0x1  }
0xac: {  	s6 =	simm.s32 @p0 $0x1B8D  }
0xad: {  	_ =	swait.eq @p0 [sflag:s6], $0x1  }
0xae: {  	[sflag:s6] =	ssyncadd.s32 @p0 $0xFFFFFFFF  }
0xaf: {  	s7 =	sshll.u32 @!p0 s1, $0xE  }
0xb0: {  	s7 =	sor.u32 @!p0 $0x4000, s7;
	s6 =	simm.s32 @!p0 $0x1B8D  }
0xb1: {  	s5 =	sshll.u32 @!p0 s5, $0x11;
	s7 =	sadd.s32 @!p0 $0x11B8D, s7;
	_ =	swait.eq @!p0 [sflag:s6], $0x1  }
0xb2: {  	s5 =	sor.u32 @!p0 s5, s7;
	[sflag:s6] =	ssyncadd.s32 @!p0 $0xFFFFFFFF  }
0xb3: {  	s25 =	simm.s32 $0x1B8E;
	s24 =	sld [smem:$0x3FFE];
	[sflag:s5] =	ssyncadd.remote.s32 @!p0 $0x1  }
0xb4: {  	s26 =	simm.s32 $execute0_lowered;
	[smem:$0x3FD2] =	sst s25  }
0xb5: {  	s6 =	sshll.u32 s26, $0x1;
	_ =	strace $0x80000049;
	[dreg:$0x1] =	wrdreg $0xFFFFFFFF  }
0xb6: {  	s28 =	simm.s32 $_size_execute0_lowered;
	s4 =	sadd.s32 s4, s6;
	[dreg:$0x0] =	wrdreg $0x0  }
0xb7: {  	s6 =	sshll.u32 s28, $0x1;
	[dreg:$0x2] =	wrdreg s4  }
0xb8: {  	[dreg:$0x3] =	wrdreg s6  }
0xb9: {  	[dreg:$0x4] =	wrdreg $0xC0  }
0xba: {  	_ =	task [dreg:s22], $0x5FFFF  }
0xbb: {  	[dreg:$0x1] =	wrdreg $0xFFFFFFFF  }
0xbc: {  	[dreg:$0x0] =	wrdreg $0x60  }
0xbd: {  	[dreg:$0x2] =	wrdreg s18  }
0xbe: {  	[dreg:$0x3] =	wrdreg s24  }
0xbf: {  	[dreg:$0x4] =	wrdreg $0x9  }
0xc0: {  	_ =	task.clear_ibuf [dreg:s22], $0x5FFFF;
	_ =	strace $0x90000049  }
0xc1: {  	s29 =	simm.s32 $0x9;
	_ =	strace $0x8000004B  }
0xc2: {  	_ =	swait.ge [sflag:s29], $0x1  }
0xc3: {  	[sflag:s29] =	ssyncadd.s32 $0xFFFFFFFF  }
0xc4: {  	_ =	strace $0x9000004B  }
0xc5: {  	_ =	sfence  }
0xc6: {  	s30 =	sld [smem:$0x0];
	_ =	sdelay $0x2  }
0xc7: {  	s31 =	sshll.u32 s1, $0xD;
	s1 =	sshrl.u32 s1, $0x2  }
0xc8: {  	s4 =	sand.u32 $0x4000, s31;
	s1 =	sadd.s32 s1, s30  }
0xc9: {  	s0 =	sor.u32 s4, s0;
	s1 =	sshll.u32 s1, $0x11  }
0xca: {  	s0 =	sor.u32 s1, s0  }
0xcb: {  	s0 =	sadd.s32 $0x8F2B, s0  }
0xcc: {  	[sflag:s0] =	ssyncadd.remote.s32 $0x1  }
0xcd: {  	_ =	sfence.sel $0xFFFF  }
0xce: {  	[dreg:$0x0] =	wrdreg $0xFFFFFFFF;
	(pc) =	sbr.abs _section_cstart, $3  }
0xcf: {  	[dreg:$0x1] =	wrdreg $0xFFFFFFFF  }
0xd0: {  	_ =	task.clear_ibuf [dreg:s22], $0x2FFFF;
	_ =	strace $0x9FFFFFFF  }
0xd1: {  	(tm) =	ssettm $0x7FFFFFFF  }
tec
execute0_lowered:
.L_overlay_start_1:
0x0: {  	(tag) =	ssettag $0x1  }
0x1: {  	s2 =	rddreg [dreg:$0x0]  }
0x2: {  	s0 =	rddreg [dreg:$0x1]  }
0x3: {  	s7 =	stileid.u32;
	s1 =	srdreg.scid;
	s3 =	simm.s32 $0x0  }
0x4: {  	s28 =	simm.s32 $0x6;
	s29 =	simm.s32 $0x3;
	s5 =	smul.u32 $0x28800, s7  }
0x5: {  	s1 =	sand.u32 $0x1, s1;
	s4 =	sshll.u32 s7, $0x1;
	s7 =	smul.u32 $0x2880, s7  }
0x6: {  	s30 =	simm.s32 $0x7;
	[smem:$0x7FF] =	sst s3;
	s8 =	smul.u32 $0x1440, s1  }
0x7: {  	s4 =	sor.u32 s1, s4;
	s9 =	ssub.s32 $0x2, s1;
	s1 =	smul.u32 $0x14400, s1  }
0x8: {  	s31 =	simm.s32 $0x4;
	_ =	strace $0x8000004A;
	s6 =	smul.u32 $0x1440, s4  }
0x9: {  	s4 =	sadd.s32 $0x289A00, s0;
	s0 =	sadd.s32 s5, s0;
	s15 =	sshrl.u32 s9, $0x1  }
0xa: {  	s10 =	sadd.s32 s8, s7;
	s0 =	sadd.s32 s1, s0;
	s1 =	simm.s32 $0x0  }
0xb: {  	s14 =	sshrl.u32 s6, $0x3;
	s6 =	ssub.s32 s9, s15;
	s17 =	sadd.s32 $0x3F0, s10  }
0xc: {  	s21 =	sadd.s32 $0x360, s10;
	s22 =	sadd.s32 $0x2D0, s10;
	s11 =	sadd.s32 $0x28EC00, s0  }
0xd: {  	s26 =	sadd.s32 $0x240, s10;
	s15 =	simm.s32 $0x9;
	s5 =	sadd.s32 s4, s14  }
0xe: {  	s7 =	sshrl.u32 s17, $0x3;
	s19 =	smax.u32 s6, $0x1;
	[dreg:$0xb] =	wrdreg s26  }
0xf: {  	s23 =	sshrl.u32 s21, $0x3;
	s24 =	sshrl.u32 s22, $0x3;
	[dreg:$0x3] =	wrdreg s5  }
0x10: {  	s17 =	simm.s32 $0x400;
	s16 =	sadd.s32 $0x12, s5;
	[dreg:$0x7] =	wrdreg s19  }
0x11: {  	s21 =	simm.s32 $0x9400;
	s18 =	sadd.s32 $0x24, s5;
	[dreg:$0x4] =	wrdreg s16  }
0x12: {  	s22 =	simm.s32 $0x300;
	s5 =	sadd.s32 $0x36, s5;
	[dreg:$0x5] =	wrdreg s18  }
.Ltmp0:
0x13: {  	s20 =	sadd.s32 s7, s4;
	[dreg:$0x6] =	wrdreg s5;
	(pc) =	sbr.rel .LBB2_1-.Ltmp0, $4  }
0x14: {  	s26 =	simm.s32 $0x2;
	s0 =	sadd.s32 s23, s4;
	[dreg:$0x8] =	wrdreg s20  }
0x15: {  	s25 =	sadd.s32 s24, s4;
	s19 =	simm.s32 $0x4C00;
	[dreg:$0x9] =	wrdreg s0  }
0x16: {  	s23 =	simm.s32 $0xDC00;
	s24 =	simm.s32 $0x1;
	[dreg:$0xa] =	wrdreg s25  }
0x17: {  	s16 =	simm.s32 $0x90;
	s25 =	simm.s32 $0x5;
	s0 =	simm.s32 $0x8  }
.LBB2_4:
0x18: {  	s1 =	sadd.s32 $0x1, s1;
	s5 =	rddreg [dreg:$0x7]  }
0x19: {  	p0 =	sne.s32 s1, s5  }
.Ltmp1:
0x1a: {  	_ = 	snop;
	(pc) =	sbr.rel @!p0 .LBB2_5-.Ltmp1, $1  }
0x1b: {  	_ =	sdelay $0x3  }
.LBB2_1:
0x1c: {  	s5 =	rddreg [dreg:$0x3]  }
0x1d: {  	[tilespmem:s3], [sflag:$0x9] =	stream.linear.gather [hbm4b:s5+s3], $0x90, $0x38;
	[tilespmem:$0x12400] =	vst v63  }
0x1e: {  	_ =	swait.ge [sflag:s15], $0x90  }
0x1f: {  	[sflag:s15] =	ssyncset.done $0x0  }
0x20: {  	[sflag:s15] =	ssyncadd.s32 $0xFFFFFF70  }
0x21: {  	[tilespmem:s17], [sflag:$0x1] =	stream.indirect.gather [hbm4b:s2+s16], $0x80, s3, s16, $0xb8;
	[tilespmem:$0x12400] =	vst v63  }
0x22: {  	s6 =	simm.s32 $0x100;
	s13 =	rddreg [dreg:$0x4]  }
0x23: {  	[tilespmem:s6], [sflag:$0x9] =	stream.linear.gather [hbm4b:s13+s3], $0x90, $0x38;
	[tilespmem:$0x12400] =	vst v63  }
0x24: {  	_ =	swait.ge [sflag:s15], $0x90  }
0x25: {  	[sflag:s15] =	ssyncset.done $0x0  }
0x26: {  	[sflag:s15] =	ssyncadd.s32 $0xFFFFFF70  }
0x27: {  	[tilespmem:s19], [sflag:$0x2] =	stream.indirect.gather [hbm4b:s2+s16], $0x80, s6, s16, $0xb8;
	[tilespmem:$0x12400] =	vst v63  }
0x28: {  	s18 =	simm.s32 $0x200;
	s14 =	rddreg [dreg:$0x5]  }
0x29: {  	[tilespmem:s18], [sflag:$0x9] =	stream.linear.gather [hbm4b:s14+s3], $0x90, $0x38;
	[tilespmem:$0x12400] =	vst v63  }
0x2a: {  	_ =	swait.ge [sflag:s15], $0x90  }
0x2b: {  	[sflag:s15] =	ssyncset.done $0x0  }
0x2c: {  	[sflag:s15] =	ssyncadd.s32 $0xFFFFFF70  }
0x2d: {  	[tilespmem:s21], [sflag:$0x3] =	stream.indirect.gather [hbm4b:s2+s16], $0x80, s18, s16, $0xb8;
	[tilespmem:$0x12400] =	vst v63  }
0x2e: {  	s20 =	rddreg [dreg:$0x6]  }
0x2f: {  	[tilespmem:s22], [sflag:$0x9] =	stream.linear.gather [hbm4b:s20+s3], $0x90, $0x38;
	[tilespmem:$0x12400] =	vst v63  }
0x30: {  	_ =	swait.ge [sflag:s15], $0x90  }
0x31: {  	s14 =	rddreg [dreg:$0xb]  }
0x32: {  	s13 =	rddreg [dreg:$0xa]  }
0x33: {  	[sflag:s15] =	ssyncset.done $0x0;
	s12 =	rddreg [dreg:$0x9]  }
0x34: {  	s9 =	simm.s32 $0x0;
	s10 =	rddreg [dreg:$0x8];
	[sflag:s15] =	ssyncadd.s32 $0xFFFFFF70  }
0x35: {  	[tilespmem:s23], [sflag:$0x4] =	stream.indirect.gather [hbm4b:s2+s16], $0x80, s22, s16, $0xb8;
	[tilespmem:$0x12400] =	vst v63  }
.LBB2_2:
0x36: {  	_ =	swait.ge [sflag:s24], $0x4800  }
0x37: {  	[sflag:s24] =	ssyncset.done $0x0  }
0x38: {  	s5 =	sadd.s32 s9, s11;
	[sflag:s24] =	ssyncadd.s32 $0xFFFFB800  }
0x39: {  	[hbm4b:s5+s3] =	stream.linear.scatter [tilespmem:s17], [sflag:$0x5], $0x4800, $0x38;
	[tilespmem:$0x12400] =	vst v63  }
0x3a: {  	p0 =	seq.s32 s9, $0x12000;
	_ =	swait.ge [sflag:s25], $0x4800  }
0x3b: {  	s8 =	sshrl.u32 @!p0 s14, $0x3;
	[sflag:s25] =	ssyncset.done $0x0  }
0x3c: {  	s7 =	simm.s32 @!p0 $0x0;
	s8 =	sadd.s32 @!p0 s4, s8;
	[sflag:s25] =	ssyncadd.s32 $0xFFFFB800  }
0x3d: {  	[tilespmem:s7], [sflag:$0x9] =	stream.linear.gather @!p0 [hbm4b:s8+s7], $0x90, $0x38;
	[tilespmem:$0x12400] =	vst v63  }
0x3e: {  	s8 =	simm.s32 @!p0 $0x9  }
0x3f: {  	_ =	swait.ge @!p0 [sflag:s8], $0x90  }
0x40: {  	[sflag:s8] =	ssyncset.done @!p0 $0x0  }
0x41: {  	s6 =	simm.s32 @!p0 $0x90;
	s18 =	simm.s32 @!p0 $0x400;
	[sflag:s8] =	ssyncadd.s32 @!p0 $0xFFFFFF70  }
0x42: {  	[tilespmem:s18], [sflag:$0x1] =	stream.indirect.gather @!p0 [hbm4b:s2+s6], $0x80, s7, s6, $0xb8;
	[tilespmem:$0x12400] =	vst v63  }
0x43: {  	_ =	swait.ge [sflag:s26], $0x4800  }
0x44: {  	[sflag:s26] =	ssyncset.done $0x0  }
0x45: {  	s20 =	sadd.s32 $0x900, s5;
	[sflag:s26] =	ssyncadd.s32 $0xFFFFB800  }
0x46: {  	[hbm4b:s20+s3] =	stream.linear.scatter [tilespmem:s19], [sflag:$0x6], $0x4800, $0x38;
	[tilespmem:$0x12400] =	vst v63  }
0x47: {  	_ =	swait.ge [sflag:s28], $0x4800  }
0x48: {  	[sflag:s28] =	ssyncset.done $0x0  }
0x49: {  	s18 =	simm.s32 @!p0 $0x100;
	[sflag:s28] =	ssyncadd.s32 $0xFFFFB800  }
0x4a: {  	[tilespmem:s18], [sflag:$0x9] =	stream.linear.gather @!p0 [hbm4b:s13+s7], $0x90, $0x38;
	[tilespmem:$0x12400] =	vst v63  }
0x4b: {  	_ =	swait.ge @!p0 [sflag:s8], $0x90  }
0x4c: {  	[sflag:s8] =	ssyncset.done @!p0 $0x0  }
0x4d: {  	s20 =	simm.s32 @!p0 $0x4C00;
	[sflag:s8] =	ssyncadd.s32 @!p0 $0xFFFFFF70  }
0x4e: {  	[tilespmem:s20], [sflag:$0x2] =	stream.indirect.gather @!p0 [hbm4b:s2+s6], $0x80, s18, s6, $0xb8;
	[tilespmem:$0x12400] =	vst v63  }
0x4f: {  	_ =	swait.ge [sflag:s29], $0x4800  }
0x50: {  	[sflag:s29] =	ssyncset.done $0x0  }
0x51: {  	s20 =	sadd.s32 $0x1200, s5;
	[sflag:s29] =	ssyncadd.s32 $0xFFFFB800  }
0x52: {  	[hbm4b:s20+s3] =	stream.linear.scatter [tilespmem:s21], [sflag:$0x7], $0x4800, $0x38;
	[tilespmem:$0x12400] =	vst v63  }
0x53: {  	_ =	swait.ge [sflag:s30], $0x4800  }
0x54: {  	[sflag:s30] =	ssyncset.done $0x0  }
0x55: {  	s18 =	simm.s32 @!p0 $0x200;
	[sflag:s30] =	ssyncadd.s32 $0xFFFFB800  }
0x56: {  	[tilespmem:s18], [sflag:$0x9] =	stream.linear.gather @!p0 [hbm4b:s12+s7], $0x90, $0x38;
	[tilespmem:$0x12400] =	vst v63  }
0x57: {  	_ =	swait.ge @!p0 [sflag:s8], $0x90  }
0x58: {  	[sflag:s8] =	ssyncset.done @!p0 $0x0  }
0x59: {  	s7 =	simm.s32 @!p0 $0x9400;
	[sflag:s8] =	ssyncadd.s32 @!p0 $0xFFFFFF70  }
0x5a: {  	[tilespmem:s7], [sflag:$0x3] =	stream.indirect.gather @!p0 [hbm4b:s2+s6], $0x80, s18, s6, $0xb8;
	[tilespmem:$0x12400] =	vst v63  }
0x5b: {  	_ =	swait.ge [sflag:s31], $0x4800  }
0x5c: {  	[sflag:s31] =	ssyncset.done $0x0  }
.Ltmp2:
0x5d: {  	s5 =	sadd.s32 $0x1B00, s5;
	[sflag:s31] =	ssyncadd.s32 $0xFFFFB800;
	(pc) =	sbr.rel @p0 .LBB2_4-.Ltmp2, $4  }
0x5e: {  	[hbm4b:s5+s3] =	stream.linear.scatter [tilespmem:s23], [sflag:$0x8], $0x4800, $0x38;
	[tilespmem:$0x12400] =	vst v63  }
0x5f: {  	_ =	swait.ge [sflag:s0], $0x4800  }
0x60: {  	[sflag:s0] =	ssyncset.done $0x0  }
0x61: {  	[sflag:s0] =	ssyncadd.s32 $0xFFFFB800  }
0x62: {  	[tilespmem:s22], [sflag:$0x9] =	stream.linear.gather [hbm4b:s10+s3], $0x90, $0x38;
	[tilespmem:$0x12400] =	vst v63  }
.Ltmp3:
0x63: {  	_ = 	snop;
	(pc) =	sbr.rel .LBB2_2-.Ltmp3, $4  }
0x64: {  	s9 =	sadd.s32 $0x2400, s9;
	_ =	swait.ge [sflag:s15], $0x90  }
0x65: {  	s10 =	sadd.s32 $0x48, s10;
	s12 =	sadd.s32 $0x48, s12;
	[sflag:s15] =	ssyncset.done $0x0  }
0x66: {  	s13 =	sadd.s32 $0x48, s13;
	s14 =	sadd.s32 $0x240, s14;
	[sflag:s15] =	ssyncadd.s32 $0xFFFFFF70  }
0x67: {  	[tilespmem:s23], [sflag:$0x4] =	stream.indirect.gather [hbm4b:s2+s16], $0x80, s22, s16, $0xb8;
	[tilespmem:$0x12400] =	vst v63  }
.LBB2_5:
0x68: {  	_ =	sfence.sel $0x180000  }
0x69: {  	[bflag:$0x0] =	sbarrier.arrive $0xFFFF  }
0x6a: {  	_ =	strace $0x9000004A  }
0x6b: {  	s0 =	stileid.u32;
	[bflag:$0x2] =	sbarrier.arrive $0xFFFF  }
0x6c: {  	p0 =	sne.s32 s0, $0x0;
	s0 =	rddreg [dreg:$0x2]  }
0x6d: {  	s0 =	sadd.s32 @!p0 $0x100000, s0  }
0x6e: {  	[sflag:s0] =	ssyncadd.tile.s32 @!p0 $0x1;
	_ =	shalt  }
.Lfunc_end2:
_tile_overlayer_lowered:
.L_overlay_start_2:
0x6f: {  	(tag) =	ssettag $0x2  }
0x70: {  	s0 =	rddreg [dreg:$0x0];
	s2 =	stileid.u32  }
0x71: {  	s1 =	rddreg [dreg:$0x1];
	p0 =	sne.s32 s2, $0x0  }
0x72: {  	s3 =	rddreg [dreg:$0x2];
	[bflag:$0x3] =	sbarrier.arrive $0xFFFF;
	s2 =	simm.s32 @!p0 $0x1C09  }
0x73: {  	[timem:s3], [sflag:s2] =	dma.local @!p0 [hbm:s0], s1  }
0x74: {  	s0 =	simm.s32 @!p0 $0x9  }
0x75: {  	_ =	swait.ge @!p0 [sflag:s0], s1  }
0x76: {  	s1 =	ssub.s32 @!p0 $0x0, s1;
	[sflag:s0] =	ssyncset.done @!p0 $0x0  }
0x77: {  	[sflag:s0] =	ssyncadd.s32 @!p0 s1  }
0x78: {  	[bflag:$0x3] =	sbarrier.arrive $0xFFFF  }
0x79: {  	_ =	shalt  }

// kernel: kernel.9.cloned.1.call-start
scs
__scs_entry_jumppad:
0x0: {  	(pc) =	sbr.rel $0x88, $3  }
0x1: {  	(tag) =	ssettag $0x0;
	lr =	simm.s32 $0x1  }
0x2: {  	[smem:$0x3F99] =	sst lr;
	_ =	strace $0xD0000000  }
0x3: {  	_ = 	snop  }
0x4: {  	_ = 	snop  }
0x5: {  	_ = 	snop  }
0x6: {  	_ = 	snop  }
0x7: {  	_ = 	snop  }
__scs_overlays_trampoline_lowered:
0x8: {  	[smem:$0x3FA8] =	sst s0  }
0x9: {  	[smem:$0x3FA9] =	sst s1  }
0xa: {  	[smem:$0x3FAA] =	sst s2  }
0xb: {  	[smem:$0x3FAB] =	sst s3  }
0xc: {  	[smem:$0x3FAC] =	sst s4  }
0xd: {  	[smem:$0x3FAD] =	sst s5  }
0xe: {  	[smem:$0x3FAE] =	sst s6  }
0xf: {  	[smem:$0x3FAF] =	sst s7  }
0x10: {  	[smem:$0x3FB0] =	sst s8  }
0x11: {  	[smem:$0x3FB1] =	sst s9;
	s0 =	simm.s32 @!p0 $0x0  }
0x12: {  	s1 =	sld [smem:$0x3F97];
	s0 =	simm.s32 @p0 $0x1  }
0x13: {  	[smem:$0x3FB2] =	sst s0;
	s0 =	simm.s32 @!p1 $0x0  }
0x14: {  	s2 =	sld [smem:$0x3F96];
	s0 =	simm.s32 @p1 $0x1  }
0x15: {  	[smem:$0x3FB3] =	sst s0;
	s0 =	simm.s32 @!p2 $0x0  }
0x16: {  	s3 =	sld [smem:$0x3FDB];
	s0 =	simm.s32 @p2 $0x1  }
0x17: {  	s4 =	simm.s32 $0x1BF5;
	[smem:$0x3FB5] =	sst s0  }
0x18: {  	s0 =	sld [smem:$0x3F98];
	_ =	swait.ge [sflag:s4], $0x0  }
0x19: {  	s7 =	sld [smem:$0x3F99]  }
0x1a: {  	s8 =	sadd.s32 $0xFFFFE003, lr  }
0x1b: {  	s9 =	sadd.s32 $0xFFFFFEF7, lr;
	s5 =	simm.s32 $0xFFFFFFFF;
	p2 =	slt.u32 s8, $0xFFFFF086  }
0x1c: {  	p1 =	slt.u32 s9, $0xF7A;
	s5 =	simm.s32 @!p2 $0x0  }
0x1d: {  	s5 =	simm.s32 @p1 $0x1;
	p0 =	seq.s32 s7, s2  }
0x1e: {  	s7 =	smul.u32 @!p0 $0xF7A, s2;
	p2 =	seq.s32 @!p0 s5, $0x0  }
0x1f: {  	s9 =	smul.u32 $0xF7A, s1;
	s8 =	simm.s32 @!p0 $0x1BF5;
	p2 =	por !p2, p0  }
0x20: {  	[sflag:s8] =	ssyncset.s32 @!p0 $0xFFFFF086;
	s6 =	sadd.s32 @!p0 s3, s7;
	s7 =	simm.s32 @!p0 $0x108  }
0x21: {  	s3 =	sadd.s32 s3, s9;
	s6 =	sadd.s32 @!p0 $0x88, s6;
	s7 =	simm.s32 @p2 $0x1082  }
0x22: {  	[simem:s7], [sflag:s8] =	dma.local @!p0 [hbm:s6], $0xF7A  }
0x23: {  	s9 =	sor.u32 $0xD0000000, s2;
	s6 =	simm.s32 $0x108;
	_ =	swait.ge @!p0 [sflag:s8], $0x0  }
0x24: {  	s3 =	sadd.s32 $0x88, s3;
	s6 =	simm.s32 @!p1 $0x1082;
	[sflag:s4] =	ssyncset.s32 $0xFFFFF086  }
0x25: {  	[simem:s6], [sflag:s4] =	dma.local [hbm:s3], $0xF7A  }
0x26: {  	[smem:$0x3F99] =	sst s1;
	(tag) =	ssettag s2;
	_ =	strace s9  }
0x27: {  	s1 =	sld [smem:$0x3FA9]  }
0x28: {  	s2 =	sld [smem:$0x3FAA]  }
0x29: {  	s4 =	sld [smem:$0x3FAC]  }
0x2a: {  	p0 =	seq.s32 s5, $0x0;
	s5 =	sld [smem:$0x3FAD]  }
0x2b: {  	s6 =	sld [smem:$0x3FAE]  }
0x2c: {  	s7 =	sld [smem:$0x3FAF]  }
0x2d: {  	s3 =	simm.s32 $0x108;
	s8 =	sld [smem:$0x3FB0]  }
0x2e: {  	s3 =	simm.s32 @!p0 $0x1082;
	s9 =	sld [smem:$0x3FB1]  }
0x2f: {  	lr =	sadd.s32 s0, s3;
	s0 =	sld [smem:$0x3FA8]  }
0x30: {  	s3 =	sld [smem:$0x3FAB]  }
0x31: {  	[smem:$0x3FB4] =	sst s10  }
0x32: {  	s10 =	sld [smem:$0x3FB2];
	_ =	sdelay $0x3  }
0x33: {  	p0 =	seq.s32 s10, $0x1;
	s10 =	sld [smem:$0x3FB4];
	_ =	sdelay $0x3  }
0x34: {  	[smem:$0x3FB4] =	sst s10  }
0x35: {  	s10 =	sld [smem:$0x3FB3];
	_ =	sdelay $0x3  }
0x36: {  	p1 =	seq.s32 s10, $0x1;
	s10 =	sld [smem:$0x3FB4];
	_ =	sdelay $0x3  }
0x37: {  	[smem:$0x3FB4] =	sst s10  }
0x38: {  	s10 =	sld [smem:$0x3FB5]  }
0x39: {  	_ = 	snop;
	(pc) =	sbr.ind lr, $3  }
0x3a: {  	_ = 	snop  }
0x3b: {  	_ = 	snop  }
0x3c: {  	p2 =	seq.s32 s10, $0x1;
	s10 =	sld [smem:$0x3FB4]  }
0x3d: {  	_ =	shalt  }
0x3e: {  	_ =	shalt  }
0x3f: {  	_ =	shalt  }
0x40: {  	_ =	shalt  }
0x41: {  	_ =	shalt  }
0x42: {  	_ =	shalt  }
0x43: {  	_ =	shalt  }
0x44: {  	_ =	shalt  }
0x45: {  	_ =	shalt  }
0x46: {  	_ =	shalt  }
0x47: {  	_ =	shalt  }
0x48: {  	_ =	shalt  }
0x49: {  	_ =	shalt  }
0x4a: {  	_ =	shalt  }
0x4b: {  	_ =	shalt  }
0x4c: {  	_ =	shalt  }
0x4d: {  	_ =	shalt  }
0x4e: {  	_ =	shalt  }
0x4f: {  	_ =	shalt  }
0x50: {  	_ =	shalt  }
0x51: {  	_ =	shalt  }
0x52: {  	_ =	shalt  }
0x53: {  	_ =	shalt  }
0x54: {  	_ =	shalt  }
0x55: {  	_ =	shalt  }
0x56: {  	_ =	shalt  }
0x57: {  	_ =	shalt  }
0x58: {  	_ =	shalt  }
0x59: {  	_ =	shalt  }
0x5a: {  	_ =	shalt  }
0x5b: {  	_ =	shalt  }
0x5c: {  	_ =	shalt  }
0x5d: {  	_ =	shalt  }
0x5e: {  	_ =	shalt  }
0x5f: {  	_ =	shalt  }
0x60: {  	_ =	shalt  }
0x61: {  	_ =	shalt  }
0x62: {  	_ =	shalt  }
0x63: {  	_ =	shalt  }
0x64: {  	_ =	shalt  }
0x65: {  	_ =	shalt  }
0x66: {  	_ =	shalt  }
0x67: {  	_ =	shalt  }
0x68: {  	_ =	shalt  }
0x69: {  	_ =	shalt  }
0x6a: {  	_ =	shalt  }
0x6b: {  	_ =	shalt  }
0x6c: {  	_ =	shalt  }
0x6d: {  	_ =	shalt  }
0x6e: {  	_ =	shalt  }
0x6f: {  	_ =	shalt  }
0x70: {  	_ =	shalt  }
0x71: {  	_ =	shalt  }
0x72: {  	_ =	shalt  }
0x73: {  	_ =	shalt  }
0x74: {  	_ =	shalt  }
0x75: {  	_ =	shalt  }
0x76: {  	_ =	shalt  }
0x77: {  	_ =	shalt  }
0x78: {  	_ =	shalt  }
0x79: {  	_ =	shalt  }
0x7a: {  	_ =	shalt  }
0x7b: {  	_ =	shalt  }
0x7c: {  	_ =	shalt  }
0x7d: {  	_ =	shalt  }
0x7e: {  	_ =	shalt  }
0x7f: {  	_ =	shalt  }
0x80: {  	_ =	shalt  }
0x81: {  	_ =	shalt  }
0x82: {  	_ =	shalt  }
0x83: {  	_ =	shalt  }
0x84: {  	_ =	shalt  }
0x85: {  	_ =	shalt  }
0x86: {  	_ =	shalt  }
0x87: {  	_ =	shalt  }
.Lfunc_end0:
.L_simem_size_0:
called_computation.1_lowered:
.L_overlay_start_0:
0x88: {  	s2 =	sld [smem:$0x3FD9]  }
0x89: {  	s3 =	sld [smem:$0x3FFE];
	_ =	sdelay $0x1  }
0x8a: {  	s1 =	srdreg.scid  }
0x8b: {  	s0 =	sand.u32 $0x1, s1  }
0x8c: {  	s17 =	sshll.u32 s0, $0xA;
	s2 =	sadd.s32 s3, s2  }
0x8d: {  	s2 =	sadd.s32 s2, s17  }
0x8e: {  	[smem:$0x3FC0] =	sst s2  }
0x8f: {  	_ = 	snop  }
0x90: {  	s2 =	sld [smem:$0x3FC7]  }
0x91: {  	s18 =	sld [smem:$0x3FD0];
	(tm) =	ssettm $0x1  }
0x92: {  	s4 =	sld [smem:$0x3FFB];
	_ =	sdelay $0x3  }
0x93: {  	_ =	strace s4  }
0x94: {  	s4 =	sld [smem:$0x3FFC];
	_ =	sdelay $0x3  }
0x95: {  	_ =	strace s4  }
0x96: {  	s4 =	sld [smem:$0x3FFD];
	_ =	sdelay $0x3  }
0x97: {  	_ =	strace s4  }
0x98: {  	_ =	strace $0x8FFFFFFF  }
0x99: {  	s19 =	sld [smem:$0x3FDB];
	_ =	sdelay $0x1  }
0x9a: {  	s5 =	simm.s32 $_scs_section_size  }
0x9b: {  	s6 =	simm.s32 $_size__tile_overlayer_lowered;
	s7 =	simm.s32 $_tile_overlayer_lowered  }
0x9c: {  	s22 =	simm.s32 $0x1BFF;
	s21 =	sshll.u32 s7, $0x1;
	s4 =	sadd.s32 s5, s19  }
0x9d: {  	s8 =	simm.s32 $0x0;
	s20 =	sshll.u32 s6, $0x1;
	s6 =	sadd.s32 s21, s4  }
0x9e: {  	[timem:s8], [sflag:s22] =	dma.local [hbm:s6], s20  }
0x9f: {  	_ =	swait.ge [sflag:s22], s20  }
0xa0: {  	s5 =	ssub.s32 $0x0, s20;
	[sflag:s22] =	ssyncset.done $0x0  }
0xa1: {  	[sflag:s22] =	ssyncadd.s32 s5;
	_ =	sdelay $0x1  }
0xa2: {  	s23 =	simm.s32 $0x1B8B  }
0xa3: {  	_ =	swait.ge [sflag:s23], $0x1  }
0xa4: {  	[sflag:s23] =	ssyncset.done $0x0  }
0xa5: {  	s25 =	simm.s32 $0x1B8E;
	s24 =	sld [smem:$0x3FFE];
	[sflag:s23] =	ssyncadd.s32 $0xFFFFFFFF  }
0xa6: {  	s26 =	simm.s32 $execute0_lowered;
	[smem:$0x3FD2] =	sst s25  }
0xa7: {  	s6 =	sshll.u32 s26, $0x1;
	_ =	strace $0x80000046;
	[dreg:$0x1] =	wrdreg $0xFFFFFFFF  }
0xa8: {  	s28 =	simm.s32 $_size_execute0_lowered;
	s4 =	sadd.s32 s4, s6;
	[dreg:$0x0] =	wrdreg $0x0  }
0xa9: {  	s6 =	sshll.u32 s28, $0x1;
	[dreg:$0x2] =	wrdreg s4  }
0xaa: {  	[dreg:$0x3] =	wrdreg s6  }
0xab: {  	[dreg:$0x4] =	wrdreg $0xC0  }
0xac: {  	_ =	task [dreg:s8], $0x5FFFF  }
0xad: {  	[dreg:$0x1] =	wrdreg $0xFFFFFFFF  }
0xae: {  	[dreg:$0x0] =	wrdreg $0x60  }
0xaf: {  	[dreg:$0x2] =	wrdreg s2  }
0xb0: {  	[dreg:$0x3] =	wrdreg s18  }
0xb1: {  	[dreg:$0x4] =	wrdreg s24  }
0xb2: {  	[dreg:$0x5] =	wrdreg $0xA  }
0xb3: {  	_ =	task.clear_ibuf [dreg:s8], $0x6FFFF;
	_ =	strace $0x90000046  }
0xb4: {  	s29 =	simm.s32 $0xA;
	_ =	strace $0x80000048  }
0xb5: {  	_ =	swait.ge [sflag:s29], $0x1  }
0xb6: {  	[sflag:s29] =	ssyncadd.s32 $0xFFFFFFFF  }
0xb7: {  	_ =	strace $0x90000048  }
0xb8: {  	_ =	sfence  }
0xb9: {  	s30 =	sld [smem:$0x0];
	_ =	sdelay $0x2  }
0xba: {  	s31 =	sshll.u32 s1, $0xD;
	s1 =	sshrl.u32 s1, $0x2  }
0xbb: {  	s3 =	sand.u32 $0x4000, s31;
	s1 =	sadd.s32 s1, s30  }
0xbc: {  	s0 =	sor.u32 s3, s0;
	s1 =	sshll.u32 s1, $0x11  }
0xbd: {  	s0 =	sor.u32 s1, s0  }
0xbe: {  	s0 =	sadd.s32 $0x8F2B, s0  }
0xbf: {  	[sflag:s0] =	ssyncadd.remote.s32 $0x1  }
0xc0: {  	_ =	sfence.sel $0xFFFF  }
0xc1: {  	[dreg:$0x0] =	wrdreg $0xFFFFFFFF;
	(pc) =	sbr.abs _section_cstart, $3  }
0xc2: {  	[dreg:$0x1] =	wrdreg $0xFFFFFFFF  }
0xc3: {  	_ =	task.clear_ibuf [dreg:s8], $0x2FFFF;
	_ =	strace $0x9FFFFFFF  }
0xc4: {  	(tm) =	ssettm $0x7FFFFFFF  }
0xc5: {  	_ =	shalt  }
tec
execute0_lowered:
.L_overlay_start_1:
0x0: {  	(tag) =	ssettag $0x1  }
0x1: {  	s1 =	rddreg [dreg:$0x0]  }
0x2: {  	s7 =	stileid.u32;
	s3 =	rddreg [dreg:$0x1]  }
0x3: {  	s0 =	srdreg.scid;
	s5 =	rddreg [dreg:$0x2]  }
0x4: {  	s4 =	simm.s32 $0x0;
	s28 =	simm.s32 $0x6;
	s29 =	simm.s32 $0x3  }
0x5: {  	s30 =	simm.s32 $0x7;
	s31 =	simm.s32 $0x4;
	s6 =	smul.u32 $0x28800, s7  }
0x6: {  	s0 =	sand.u32 $0x1, s0;
	s2 =	sshll.u32 s7, $0x1;
	s7 =	smul.u32 $0x2880, s7  }
0x7: {  	[smem:$0x7FF] =	sst s4;
	s2 =	sor.u32 s0, s2;
	s8 =	smul.u32 $0x1440, s0  }
0x8: {  	_ =	strace $0x80000047;
	s9 =	ssub.s32 $0x2, s0;
	s0 =	smul.u32 $0x14400, s0  }
0x9: {  	s2 =	smul.u32 $0x1440, s2;
	s6 =	sadd.s32 s6, s5;
	s10 =	sshrl.u32 s9, $0x1  }
0xa: {  	s14 =	sadd.s32 s8, s7;
	s15 =	ssub.s32 s9, s10;
	s0 =	sadd.s32 s0, s6  }
0xb: {  	s2 =	sshrl.u32 s2, $0x3;
	s17 =	sadd.s32 $0x3F0, s14;
	s19 =	smax.u32 s15, $0x1  }
0xc: {  	s21 =	sadd.s32 $0x360, s14;
	s22 =	sadd.s32 $0x2D0, s14;
	s11 =	sadd.s32 $0x1A00, s0  }
0xd: {  	s26 =	sadd.s32 $0x240, s14;
	s15 =	simm.s32 $0x9;
	s13 =	sadd.s32 s3, s2  }
0xe: {  	s8 =	sshrl.u32 s17, $0x3;
	[dreg:$0x8] =	wrdreg s19;
	s23 =	sshrl.u32 s21, $0x3  }
0xf: {  	s24 =	sshrl.u32 s22, $0x3;
	[dreg:$0xc] =	wrdreg s26;
	s17 =	simm.s32 $0x400  }
0x10: {  	s19 =	simm.s32 $0x4C00;
	s16 =	sadd.s32 $0x12, s13;
	[dreg:$0x4] =	wrdreg s13  }
0x11: {  	s21 =	simm.s32 $0x9400;
	s18 =	sadd.s32 $0x24, s13;
	[dreg:$0x5] =	wrdreg s16  }
0x12: {  	s22 =	simm.s32 $0x300;
	s5 =	sadd.s32 $0x36, s13;
	[dreg:$0x6] =	wrdreg s18  }
.Ltmp0:
0x13: {  	s20 =	sadd.s32 s8, s3;
	[dreg:$0x7] =	wrdreg s5;
	(pc) =	sbr.rel .LBB2_1-.Ltmp0, $4  }
0x14: {  	s26 =	simm.s32 $0x2;
	s0 =	sadd.s32 s23, s3;
	[dreg:$0x9] =	wrdreg s20  }
0x15: {  	s2 =	simm.s32 $0x8;
	s25 =	sadd.s32 s24, s3;
	[dreg:$0xa] =	wrdreg s0  }
0x16: {  	s23 =	simm.s32 $0xDC00;
	s24 =	simm.s32 $0x1;
	[dreg:$0xb] =	wrdreg s25  }
0x17: {  	s16 =	simm.s32 $0x90;
	s25 =	simm.s32 $0x5;
	s0 =	simm.s32 $0x0  }
.LBB2_4:
0x18: {  	s0 =	sadd.s32 $0x1, s0;
	s5 =	rddreg [dreg:$0x8]  }
0x19: {  	p0 =	sne.s32 s0, s5  }
.Ltmp1:
0x1a: {  	_ = 	snop;
	(pc) =	sbr.rel @!p0 .LBB2_5-.Ltmp1, $1  }
0x1b: {  	_ =	sdelay $0x3  }
.LBB2_1:
0x1c: {  	s5 =	rddreg [dreg:$0x4]  }
0x1d: {  	[tilespmem:s4], [sflag:$0x9] =	stream.linear.gather [hbm4b:s5+s4], $0x90, $0x38;
	[tilespmem:$0x12400] =	vst v63  }
0x1e: {  	_ =	swait.ge [sflag:s15], $0x90  }
0x1f: {  	[sflag:s15] =	ssyncset.done $0x0  }
0x20: {  	[sflag:s15] =	ssyncadd.s32 $0xFFFFFF70  }
0x21: {  	[tilespmem:s17], [sflag:$0x1] =	stream.indirect.gather [hbm4b:s1+s16], $0x80, s4, s16, $0xb8;
	[tilespmem:$0x12400] =	vst v63  }
0x22: {  	s6 =	simm.s32 $0x100;
	s13 =	rddreg [dreg:$0x5]  }
0x23: {  	[tilespmem:s6], [sflag:$0x9] =	stream.linear.gather [hbm4b:s13+s4], $0x90, $0x38;
	[tilespmem:$0x12400] =	vst v63  }
0x24: {  	_ =	swait.ge [sflag:s15], $0x90  }
0x25: {  	[sflag:s15] =	ssyncset.done $0x0  }
0x26: {  	[sflag:s15] =	ssyncadd.s32 $0xFFFFFF70  }
0x27: {  	[tilespmem:s19], [sflag:$0x2] =	stream.indirect.gather [hbm4b:s1+s16], $0x80, s6, s16, $0xb8;
	[tilespmem:$0x12400] =	vst v63  }
0x28: {  	s18 =	simm.s32 $0x200;
	s14 =	rddreg [dreg:$0x6]  }
0x29: {  	[tilespmem:s18], [sflag:$0x9] =	stream.linear.gather [hbm4b:s14+s4], $0x90, $0x38;
	[tilespmem:$0x12400] =	vst v63  }
0x2a: {  	_ =	swait.ge [sflag:s15], $0x90  }
0x2b: {  	[sflag:s15] =	ssyncset.done $0x0  }
0x2c: {  	[sflag:s15] =	ssyncadd.s32 $0xFFFFFF70  }
0x2d: {  	[tilespmem:s21], [sflag:$0x3] =	stream.indirect.gather [hbm4b:s1+s16], $0x80, s18, s16, $0xb8;
	[tilespmem:$0x12400] =	vst v63  }
0x2e: {  	s20 =	rddreg [dreg:$0x7]  }
0x2f: {  	[tilespmem:s22], [sflag:$0x9] =	stream.linear.gather [hbm4b:s20+s4], $0x90, $0x38;
	[tilespmem:$0x12400] =	vst v63  }
0x30: {  	_ =	swait.ge [sflag:s15], $0x90  }
0x31: {  	s14 =	rddreg [dreg:$0xc]  }
0x32: {  	s13 =	rddreg [dreg:$0xb]  }
0x33: {  	[sflag:s15] =	ssyncset.done $0x0;
	s12 =	rddreg [dreg:$0xa]  }
0x34: {  	s9 =	simm.s32 $0x0;
	s10 =	rddreg [dreg:$0x9];
	[sflag:s15] =	ssyncadd.s32 $0xFFFFFF70  }
0x35: {  	[tilespmem:s23], [sflag:$0x4] =	stream.indirect.gather [hbm4b:s1+s16], $0x80, s22, s16, $0xb8;
	[tilespmem:$0x12400] =	vst v63  }
.LBB2_2:
0x36: {  	_ =	swait.ge [sflag:s24], $0x4800  }
0x37: {  	[sflag:s24] =	ssyncset.done $0x0  }
0x38: {  	s5 =	sadd.s32 s9, s11;
	[sflag:s24] =	ssyncadd.s32 $0xFFFFB800  }
0x39: {  	[hbm4b:s5+s4] =	stream.linear.scatter [tilespmem:s17], [sflag:$0x5], $0x4800, $0x38;
	[tilespmem:$0x12400] =	vst v63  }
0x3a: {  	p0 =	seq.s32 s9, $0x12000;
	_ =	swait.ge [sflag:s25], $0x4800  }
0x3b: {  	s8 =	sshrl.u32 @!p0 s14, $0x3;
	[sflag:s25] =	ssyncset.done $0x0  }
0x3c: {  	s7 =	simm.s32 @!p0 $0x0;
	s8 =	sadd.s32 @!p0 s3, s8;
	[sflag:s25] =	ssyncadd.s32 $0xFFFFB800  }
0x3d: {  	[tilespmem:s7], [sflag:$0x9] =	stream.linear.gather @!p0 [hbm4b:s8+s7], $0x90, $0x38;
	[tilespmem:$0x12400] =	vst v63  }
0x3e: {  	s8 =	simm.s32 @!p0 $0x9  }
0x3f: {  	_ =	swait.ge @!p0 [sflag:s8], $0x90  }
0x40: {  	[sflag:s8] =	ssyncset.done @!p0 $0x0  }
0x41: {  	s6 =	simm.s32 @!p0 $0x90;
	s18 =	simm.s32 @!p0 $0x400;
	[sflag:s8] =	ssyncadd.s32 @!p0 $0xFFFFFF70  }
0x42: {  	[tilespmem:s18], [sflag:$0x1] =	stream.indirect.gather @!p0 [hbm4b:s1+s6], $0x80, s7, s6, $0xb8;
	[tilespmem:$0x12400] =	vst v63  }
0x43: {  	_ =	swait.ge [sflag:s26], $0x4800  }
0x44: {  	[sflag:s26] =	ssyncset.done $0x0  }
0x45: {  	s20 =	sadd.s32 $0x900, s5;
	[sflag:s26] =	ssyncadd.s32 $0xFFFFB800  }
0x46: {  	[hbm4b:s20+s4] =	stream.linear.scatter [tilespmem:s19], [sflag:$0x6], $0x4800, $0x38;
	[tilespmem:$0x12400] =	vst v63  }
0x47: {  	_ =	swait.ge [sflag:s28], $0x4800  }
0x48: {  	[sflag:s28] =	ssyncset.done $0x0  }
0x49: {  	s18 =	simm.s32 @!p0 $0x100;
	[sflag:s28] =	ssyncadd.s32 $0xFFFFB800  }
0x4a: {  	[tilespmem:s18], [sflag:$0x9] =	stream.linear.gather @!p0 [hbm4b:s13+s7], $0x90, $0x38;
	[tilespmem:$0x12400] =	vst v63  }
0x4b: {  	_ =	swait.ge @!p0 [sflag:s8], $0x90  }
0x4c: {  	[sflag:s8] =	ssyncset.done @!p0 $0x0  }
0x4d: {  	s20 =	simm.s32 @!p0 $0x4C00;
	[sflag:s8] =	ssyncadd.s32 @!p0 $0xFFFFFF70  }
0x4e: {  	[tilespmem:s20], [sflag:$0x2] =	stream.indirect.gather @!p0 [hbm4b:s1+s6], $0x80, s18, s6, $0xb8;
	[tilespmem:$0x12400] =	vst v63  }
0x4f: {  	_ =	swait.ge [sflag:s29], $0x4800  }
0x50: {  	[sflag:s29] =	ssyncset.done $0x0  }
0x51: {  	s20 =	sadd.s32 $0x1200, s5;
	[sflag:s29] =	ssyncadd.s32 $0xFFFFB800  }
0x52: {  	[hbm4b:s20+s4] =	stream.linear.scatter [tilespmem:s21], [sflag:$0x7], $0x4800, $0x38;
	[tilespmem:$0x12400] =	vst v63  }
0x53: {  	_ =	swait.ge [sflag:s30], $0x4800  }
0x54: {  	[sflag:s30] =	ssyncset.done $0x0  }
0x55: {  	s18 =	simm.s32 @!p0 $0x200;
	[sflag:s30] =	ssyncadd.s32 $0xFFFFB800  }
0x56: {  	[tilespmem:s18], [sflag:$0x9] =	stream.linear.gather @!p0 [hbm4b:s12+s7], $0x90, $0x38;
	[tilespmem:$0x12400] =	vst v63  }
0x57: {  	_ =	swait.ge @!p0 [sflag:s8], $0x90  }
0x58: {  	[sflag:s8] =	ssyncset.done @!p0 $0x0  }
0x59: {  	s7 =	simm.s32 @!p0 $0x9400;
	[sflag:s8] =	ssyncadd.s32 @!p0 $0xFFFFFF70  }
0x5a: {  	[tilespmem:s7], [sflag:$0x3] =	stream.indirect.gather @!p0 [hbm4b:s1+s6], $0x80, s18, s6, $0xb8;
	[tilespmem:$0x12400] =	vst v63  }
0x5b: {  	_ =	swait.ge [sflag:s31], $0x4800  }
0x5c: {  	[sflag:s31] =	ssyncset.done $0x0  }
.Ltmp2:
0x5d: {  	s5 =	sadd.s32 $0x1B00, s5;
	[sflag:s31] =	ssyncadd.s32 $0xFFFFB800;
	(pc) =	sbr.rel @p0 .LBB2_4-.Ltmp2, $4  }
0x5e: {  	[hbm4b:s5+s4] =	stream.linear.scatter [tilespmem:s23], [sflag:$0x8], $0x4800, $0x38;
	[tilespmem:$0x12400] =	vst v63  }
0x5f: {  	_ =	swait.ge [sflag:s2], $0x4800  }
0x60: {  	[sflag:s2] =	ssyncset.done $0x0  }
0x61: {  	[sflag:s2] =	ssyncadd.s32 $0xFFFFB800  }
0x62: {  	[tilespmem:s22], [sflag:$0x9] =	stream.linear.gather [hbm4b:s10+s4], $0x90, $0x38;
	[tilespmem:$0x12400] =	vst v63  }
.Ltmp3:
0x63: {  	_ = 	snop;
	(pc) =	sbr.rel .LBB2_2-.Ltmp3, $4  }
0x64: {  	s9 =	sadd.s32 $0x2400, s9;
	_ =	swait.ge [sflag:s15], $0x90  }
0x65: {  	s10 =	sadd.s32 $0x48, s10;
	s12 =	sadd.s32 $0x48, s12;
	[sflag:s15] =	ssyncset.done $0x0  }
0x66: {  	s13 =	sadd.s32 $0x48, s13;
	s14 =	sadd.s32 $0x240, s14;
	[sflag:s15] =	ssyncadd.s32 $0xFFFFFF70  }
0x67: {  	[tilespmem:s23], [sflag:$0x4] =	stream.indirect.gather [hbm4b:s1+s16], $0x80, s22, s16, $0xb8;
	[tilespmem:$0x12400] =	vst v63  }
.LBB2_5:
0x68: {  	_ =	sfence.sel $0x180000  }
0x69: {  	[bflag:$0x0] =	sbarrier.arrive $0xFFFF  }
0x6a: {  	_ =	strace $0x90000047  }
0x6b: {  	s0 =	stileid.u32;
	[bflag:$0x2] =	sbarrier.arrive $0xFFFF  }
0x6c: {  	p0 =	sne.s32 s0, $0x0;
	s0 =	rddreg [dreg:$0x3]  }
0x6d: {  	s0 =	sadd.s32 @!p0 $0x100000, s0  }
0x6e: {  	[sflag:s0] =	ssyncadd.tile.s32 @!p0 $0x1;
	_ =	shalt  }
.Lfunc_end2:
_tile_overlayer_lowered:
.L_overlay_start_2:
0x6f: {  	(tag) =	ssettag $0x2  }
0x70: {  	s0 =	rddreg [dreg:$0x0];
	s2 =	stileid.u32  }
0x71: {  	s1 =	rddreg [dreg:$0x1];
	p0 =	sne.s32 s2, $0x0  }
0x72: {  	s3 =	rddreg [dreg:$0x2];
	[bflag:$0x3] =	sbarrier.arrive $0xFFFF;
	s2 =	simm.s32 @!p0 $0x1C09  }
0x73: {  	[timem:s3], [sflag:s2] =	dma.local @!p0 [hbm:s0], s1  }
0x74: {  	s0 =	simm.s32 @!p0 $0x9  }
0x75: {  	_ =	swait.ge @!p0 [sflag:s0], s1  }
0x76: {  	s1 =	ssub.s32 @!p0 $0x0, s1;
	[sflag:s0] =	ssyncset.done @!p0 $0x0  }
0x77: {  	[sflag:s0] =	ssyncadd.s32 @!p0 s1  }
0x78: {  	[bflag:$0x3] =	sbarrier.arrive $0xFFFF  }
0x79: {  	_ =	shalt  }

</sc_bundles>
